<compile_context>
chip_gen: v7x
topology: tpu7x:2x2x1
jax: 0.10.2.dev20260603
libtpu: 0.0.44.dev20260713+nightly
codegen_flags: <defaults>
</compile_context>

<pallas_src>
import functools

import jax
import jax.numpy as jnp
from jax import lax
from jax.experimental import pallas as pl
from jax.experimental.pallas import tpu as pltpu
from jax.experimental.pallas import tpu_sc as plsc

_N = 10000
_E = 320000
_DIN = 128
_DH = 32

_NC = 2
_NS = 16
_NW = _NC * _NS
_IDXW = 128
_ROWS_PER_WID = 80
_EROWS = _NW * _ROWS_PER_WID
_EPAD = _EROWS * _IDXW
_NP = 10240
_NODE_ROWS = _NP // _NS
_DEGW = 8

_BLKP = 5120
_GRIDP = _NP // _BLKP


def _mesh():
    return plsc.VectorSubcoreMesh(core_axis_name="c", subcore_axis_name="s")


_SC_PARAMS = pltpu.CompilerParams(use_tc_tiling_on_sc=False)




@functools.lru_cache(maxsize=None)
def _sc_deg_kernel():
    @functools.partial(
        pl.kernel,
        out_type=jax.ShapeDtypeStruct((_NC, _NP, _DEGW), jnp.float32),
        mesh=_mesh(),
        compiler_params=_SC_PARAMS,
        scratch_types=[
            pltpu.VMEM_SHARED((_NP, _DEGW), jnp.float32),
            pltpu.VMEM((_ROWS_PER_WID, _IDXW), jnp.int32),
            pltpu.VMEM((_IDXW, _DEGW), jnp.float32),
        ],
    )
    def deg_kernel(ei_hbm, z_hbm, ones_hbm, out_hbm, dacc, didx, ones_v):
        c = lax.axis_index("c")
        s = lax.axis_index("s")
        wid = c * _NS + s
        pltpu.sync_copy(
            ei_hbm.at[1].at[pl.ds(wid * _ROWS_PER_WID, _ROWS_PER_WID)], didx)
        pltpu.sync_copy(ones_hbm, ones_v)
        r0 = s * _NODE_ROWS

        pltpu.sync_copy(z_hbm, dacc.at[pl.ds(r0, _NODE_ROWS)])
        plsc.subcore_barrier()

        @pl.loop(0, _ROWS_PER_WID)
        def _(j):
            pltpu.sync_copy(ones_v, dacc.at[didx.at[j]], add=True)

        plsc.subcore_barrier()
        pltpu.sync_copy(dacc.at[pl.ds(r0, _NODE_ROWS)],
                        out_hbm.at[c].at[pl.ds(r0, _NODE_ROWS)])

    return deg_kernel


@functools.lru_cache(maxsize=None)
def _sc_agg_kernel():
    @functools.partial(
        pl.kernel,
        out_type=jax.ShapeDtypeStruct((_NC, _NP, _DH), jnp.float32),
        mesh=_mesh(),
        compiler_params=_SC_PARAMS,
        scratch_types=[
            pltpu.VMEM_SHARED((_NP, _DH), jnp.float32),
            pltpu.VMEM_SHARED((_NP, _DH), jnp.float32),
            pltpu.VMEM((_ROWS_PER_WID, _IDXW), jnp.int32),
            pltpu.VMEM((_ROWS_PER_WID, _IDXW), jnp.int32),
            pltpu.VMEM((_IDXW, _DH), jnp.float32),
            pltpu.VMEM((_IDXW, _DH), jnp.float32),
            pltpu.SemaphoreType.DMA,
            pltpu.SemaphoreType.DMA,
        ],
    )
    def agg_kernel(g_hbm, ei_hbm, z_hbm, out_hbm,
                   acc, gtab, sidx, didx, rows_a, rows_b, sem_a, sem_b):
        c = lax.axis_index("c")
        s = lax.axis_index("s")
        wid = c * _NS + s
        pltpu.sync_copy(
            ei_hbm.at[0].at[pl.ds(wid * _ROWS_PER_WID, _ROWS_PER_WID)], sidx)
        pltpu.sync_copy(
            ei_hbm.at[1].at[pl.ds(wid * _ROWS_PER_WID, _ROWS_PER_WID)], didx)
        r0 = s * _NODE_ROWS
        pltpu.sync_copy(g_hbm.at[pl.ds(r0, _NODE_ROWS)], gtab.at[pl.ds(r0, _NODE_ROWS)])

        pltpu.sync_copy(z_hbm, acc.at[pl.ds(r0, _NODE_ROWS)])
        plsc.subcore_barrier()

        def gather_start(j, buf, sem):
            pltpu.make_async_copy(gtab.at[sidx.at[j]], buf, sem).start()

        def gather_wait(j, buf, sem):
            pltpu.make_async_copy(gtab.at[sidx.at[j]], buf, sem).wait()

        gather_start(0, rows_a, sem_a)

        @pl.loop(0, _ROWS_PER_WID, step=2)
        def _(j):
            gather_wait(j, rows_a, sem_a)
            gather_start(j + 1, rows_b, sem_b)
            pltpu.sync_copy(rows_a, acc.at[didx.at[j]], add=True)
            gather_wait(j + 1, rows_b, sem_b)

            @pl.when(j + 2 < _ROWS_PER_WID)
            def _():
                gather_start(j + 2, rows_a, sem_a)

            pltpu.sync_copy(rows_b, acc.at[didx.at[j + 1]], add=True)

        plsc.subcore_barrier()
        pltpu.sync_copy(acc.at[pl.ds(r0, _NODE_ROWS)],
                        out_hbm.at[c].at[pl.ds(r0, _NODE_ROWS)])

    return agg_kernel




def _mm_body(x_ref, w_ref, o_ref):
    o_ref[...] = jnp.dot(x_ref[...], w_ref[...], preferred_element_type=jnp.float32)


def _tc_matmul(x, w):
    return pl.pallas_call(
        _mm_body,
        grid=(_GRIDP,),
        in_specs=[pl.BlockSpec((_BLKP, _DIN), lambda i: (i, 0)),
                  pl.BlockSpec((_DIN, _DH), lambda i: (0, 0))],
        out_specs=pl.BlockSpec((_BLKP, _DH), lambda i: (i, 0)),
        out_shape=jax.ShapeDtypeStruct((_NP, _DH), jnp.float32),
    )(x, w)


def _prescale_body(d_ref, h_ref, g_ref, dinv_ref):
    deg = d_ref[0, :, 0:1] + d_ref[1, :, 0:1] + 1.0
    dinv = lax.rsqrt(deg)
    dinv_ref[...] = dinv
    g_ref[...] = h_ref[...] * dinv


def _tc_prescale(degp, h):
    return pl.pallas_call(
        _prescale_body,
        grid=(_GRIDP,),
        in_specs=[pl.BlockSpec((_NC, _BLKP, _DEGW), lambda i: (0, i, 0)),
                  pl.BlockSpec((_BLKP, _DH), lambda i: (i, 0))],
        out_specs=[pl.BlockSpec((_BLKP, _DH), lambda i: (i, 0)),
                   pl.BlockSpec((_BLKP, 1), lambda i: (i, 0))],
        out_shape=[jax.ShapeDtypeStruct((_NP, _DH), jnp.float32),
                   jax.ShapeDtypeStruct((_NP, 1), jnp.float32)],
    )(degp, h)


def _mid_body(a_ref, g_ref, dinv_ref, b_ref, w_ref, o_ref):
    dv = dinv_ref[...]
    t = (a_ref[0] + a_ref[1] + g_ref[...]) * dv + b_ref[...]
    t = jnp.maximum(t, 0.0)
    o_ref[...] = jnp.dot(t, w_ref[...], preferred_element_type=jnp.float32) * dv


def _tc_mid(acc, g, dinv, b, w):
    return pl.pallas_call(
        _mid_body,
        grid=(_GRIDP,),
        in_specs=[pl.BlockSpec((_NC, _BLKP, _DH), lambda i: (0, i, 0)),
                  pl.BlockSpec((_BLKP, _DH), lambda i: (i, 0)),
                  pl.BlockSpec((_BLKP, 1), lambda i: (i, 0)),
                  pl.BlockSpec((1, _DH), lambda i: (0, 0)),
                  pl.BlockSpec((_DH, _DH), lambda i: (0, 0))],
        out_specs=pl.BlockSpec((_BLKP, _DH), lambda i: (i, 0)),
        out_shape=jax.ShapeDtypeStruct((_NP, _DH), jnp.float32),
    )(acc, g, dinv, b, w)


def _fin_body(a_ref, g_ref, dinv_ref, b_ref, wl_ref, bl_ref, o_ref):
    t = (a_ref[0] + a_ref[1] + g_ref[...]) * dinv_ref[...] + b_ref[...]
    t = jnp.maximum(t, 0.0)
    o_ref[...] = jnp.dot(t, wl_ref[...], preferred_element_type=jnp.float32) + bl_ref[...]


def _tc_fin(acc, g, dinv, b, wl, bl):
    return pl.pallas_call(
        _fin_body,
        grid=(_GRIDP,),
        in_specs=[pl.BlockSpec((_NC, _BLKP, _DH), lambda i: (0, i, 0)),
                  pl.BlockSpec((_BLKP, _DH), lambda i: (i, 0)),
                  pl.BlockSpec((_BLKP, 1), lambda i: (i, 0)),
                  pl.BlockSpec((1, _DH), lambda i: (0, 0)),
                  pl.BlockSpec((_DH, 1), lambda i: (0, 0)),
                  pl.BlockSpec((1, 1), lambda i: (0, 0))],
        out_specs=pl.BlockSpec((_BLKP, 1), lambda i: (i, 0)),
        out_shape=jax.ShapeDtypeStruct((_NP, 1), jnp.float32),
    )(acc, g, dinv, b, wl, bl)




def kernel(x, edge_index, W1, b1, W2, b2, Wl, bl):
    f32 = jnp.float32
    ei = jnp.pad(edge_index.astype(jnp.int32), ((0, 0), (0, _EPAD - _E)),
                 constant_values=_N).reshape(2, _EROWS, _IDXW)
    z32 = jnp.zeros((_NODE_ROWS, _DH), f32)
    z16 = jnp.zeros((_NODE_ROWS, _DEGW), f32)
    ones = jnp.ones((_IDXW, _DEGW), f32)

    degp = _sc_deg_kernel()(ei, z16, ones)
    h1 = _tc_matmul(x, W1)
    g1, dinv = _tc_prescale(degp, h1)
    acc1 = _sc_agg_kernel()(g1, ei, z32)
    g2 = _tc_mid(acc1, g1, dinv, b1.reshape(1, _DH), W2)
    acc2 = _sc_agg_kernel()(g2, ei, z32)
    out = _tc_fin(acc2, g2, dinv, b2.reshape(1, _DH), Wl, bl.reshape(1, 1))
    return out[:_N]

# --- scband reference (transcript-rebuilt; emitter-appended) ---
"""Pipeline reference for scband-gcnregressor-77275051590185 (READ-ONLY COPY).

The authoritative reference and input builder live on the scoring server;
editing this copy changes nothing except your own understanding.
"""

import jax, jax.numpy as jnp
import numpy as np

N = 10000
E = 320000
D_IN = 128
D_H = 32

def setup_inputs(seed: int = 0) -> dict:
    key = jax.random.key(seed)
    k1, k2, k3, k4, k5 = jax.random.split(key, 5)
    x = jax.random.normal(k1, (N, D_IN), dtype=jnp.float32)
    edge_index = jax.random.randint(k2, (2, E), 0, N, dtype=jnp.int64)
    W1 = jax.random.normal(k3, (D_IN, D_H), dtype=jnp.float32) * (1.0 / np.sqrt(D_IN))
    b1 = jnp.zeros((D_H,), dtype=jnp.float32)
    W2 = jax.random.normal(k4, (D_H, D_H), dtype=jnp.float32) * (1.0 / np.sqrt(D_H))
    b2 = jnp.zeros((D_H,), dtype=jnp.float32)
    Wl = jax.random.normal(k5, (D_H, 1), dtype=jnp.float32) * (1.0 / np.sqrt(D_H))
    bl = jnp.zeros((1,), dtype=jnp.float32)
    return {"x": x, "edge_index": edge_index, "W1": W1, "b1": b1, "W2": W2, "b2": b2, "Wl": Wl, "bl": bl}

def _gcn_conv(x, src, dst, W, b):
    # PyG GCNConv: transform, add self loops, symmetric normalization, scatter-add aggregate
    h = x @ W
    loop = jnp.arange(N, dtype=src.dtype)
    s = jnp.concatenate([src, loop])
    d = jnp.concatenate([dst, loop])
    deg = jnp.zeros((N,), dtype=h.dtype).at[d].add(1.0)
    dinv = jnp.where(deg > 0, deg ** -0.5, 0.0)
    norm = dinv[s] * dinv[d]
    msg = h[s] * norm[:, None]
    out = jnp.zeros((N, h.shape[1]), dtype=h.dtype).at[d].add(msg)
    return out + b

def reference(x, edge_index, W1, b1, W2, b2, Wl, bl):
    src = edge_index[0]
    dst = edge_index[1]
    h = _gcn_conv(x, src, dst, W1, b1)
    h = jax.nn.relu(h)
    h = _gcn_conv(h, src, dst, W2, b2)
    h = jax.nn.relu(h)
    out = h @ Wl + bl
    return out

if __name__ == "__main__":
    import jax
    _d = setup_inputs()
    print(jax.jit(kernel)(*tuple(_d.values())))

</pallas_src>

<mosaic_0001>
#map = affine_map<(d0, d1) -> (0, 0)>
#map1 = affine_map<(d0, d1) -> (0, 0, 0)>
module attributes {stable_mosaic.version = 14 : i64} {
  func.func @agg_kernel(%arg0: i32, %arg1: i32, %arg2: memref<10240x32xf32, #tpu.memory_space<hbm>>, %arg3: memref<2x2560x128xi32, #tpu.memory_space<hbm>>, %arg4: memref<640x32xf32, #tpu.memory_space<hbm>>, %arg5: memref<2x10240x32xf32, #tpu.memory_space<hbm>>, %arg6: memref<10240x32xf32, #tpu.memory_space<vmem_shared>>, %arg7: memref<10240x32xf32, #tpu.memory_space<vmem_shared>>, %arg8: memref<80x128xi32, #tpu.memory_space<vmem>>, %arg9: memref<80x128xi32, #tpu.memory_space<vmem>>, %arg10: memref<128x32xf32, #tpu.memory_space<vmem>>, %arg11: memref<128x32xf32, #tpu.memory_space<vmem>>, %arg12: memref<!tpu.dma_semaphore, #tpu.memory_space<semaphore_mem>>, %arg13: memref<!tpu.dma_semaphore, #tpu.memory_space<semaphore_mem>>) attributes {dimension_semantics = [#tpu.dimension_semantics<core_parallel>, #tpu.dimension_semantics<subcore_parallel>], iteration_bounds = array<i64: 2, 16>, scalar_prefetch = 0 : i64, scratch_operands = 8 : i64, tpu.core_type = #tpu.core_type<sc_vector_subcore>, window_params = [{transform_indices = #map}, {transform_indices = #map1}, {transform_indices = #map}, {transform_indices = #map1}]} {
    %mul3A = arith.constant 16 : i32
    %mul3A_0 = arith.muli %arg0, %mul3A : i32
    %add3A = arith.addi %mul3A_0, %arg1 : i32
    %mul3A_1 = arith.constant 80 : i32
    %mul3A_2 = arith.muli %add3A, %mul3A_1 : i32
    %run_scoped3A = arith.constant 0 : i32
    "tpu.region"() ({
      %run_scoped3A_19 = tpu.sem_alloc : memref<!tpu.dma_semaphore, #tpu.memory_space<semaphore_mem>>
      %dma_start3A_20 = arith.constant 0 : i32
      %dma_start3A_21 = arith.constant 0 : i32
      %dma_start3A_22 = tpu.memref_slice %arg3[%run_scoped3A, %dma_start3A_20, %dma_start3A_21] : memref<2x2560x128xi32, #tpu.memory_space<hbm>> -> memref<1x2560x128xi32, #tpu.memory_space<hbm>>
      %dma_start3A_23 = tpu.memref_squeeze %dma_start3A_22 : memref<1x2560x128xi32, #tpu.memory_space<hbm>> -> memref<2560x128xi32, #tpu.memory_space<hbm>>
      %dma_start3A_24 = arith.constant 0 : i32
      %dma_start3A_25 = tpu.memref_slice %dma_start3A_23[%mul3A_2, %dma_start3A_24] : memref<2560x128xi32, #tpu.memory_space<hbm>> -> memref<80x128xi32, #tpu.memory_space<hbm>>
      %dma_start3A_26 = arith.constant 0 : i32
      %dma_start3A_27 = arith.constant 0 : i32
      %dma_start3A_28 = tpu.memref_slice %arg3[%run_scoped3A, %dma_start3A_26, %dma_start3A_27] : memref<2x2560x128xi32, #tpu.memory_space<hbm>> -> memref<1x2560x128xi32, #tpu.memory_space<hbm>>
      %dma_start3A_29 = tpu.memref_squeeze %dma_start3A_28 : memref<1x2560x128xi32, #tpu.memory_space<hbm>> -> memref<2560x128xi32, #tpu.memory_space<hbm>>
      %dma_start3A_30 = arith.constant 0 : i32
      %dma_start3A_31 = tpu.memref_slice %dma_start3A_29[%mul3A_2, %dma_start3A_30] : memref<2560x128xi32, #tpu.memory_space<hbm>> -> memref<80x128xi32, #tpu.memory_space<hbm>>
      tpu.enqueue_dma source(%dma_start3A_31 : memref<80x128xi32, #tpu.memory_space<hbm>>) target(%arg8 : memref<80x128xi32, #tpu.memory_space<vmem>>) target_semaphore(%run_scoped3A_19 : memref<!tpu.dma_semaphore, #tpu.memory_space<semaphore_mem>>)
      %dma_wait3A = arith.constant 0 : i32
      %dma_wait3A_32 = arith.constant 0 : i32
      %dma_wait3A_33 = tpu.memref_slice %arg3[%run_scoped3A, %dma_wait3A, %dma_wait3A_32] : memref<2x2560x128xi32, #tpu.memory_space<hbm>> -> memref<1x2560x128xi32, #tpu.memory_space<hbm>>
      %dma_wait3A_34 = tpu.memref_squeeze %dma_wait3A_33 : memref<1x2560x128xi32, #tpu.memory_space<hbm>> -> memref<2560x128xi32, #tpu.memory_space<hbm>>
      %dma_wait3A_35 = arith.constant 0 : i32
      %dma_wait3A_36 = tpu.memref_slice %dma_wait3A_34[%mul3A_2, %dma_wait3A_35] : memref<2560x128xi32, #tpu.memory_space<hbm>> -> memref<80x128xi32, #tpu.memory_space<hbm>>
      %dma_wait3A_37 = arith.constant 0 : i32
      %dma_wait3A_38 = arith.constant 0 : i32
      %dma_wait3A_39 = tpu.memref_slice %arg3[%run_scoped3A, %dma_wait3A_37, %dma_wait3A_38] : memref<2x2560x128xi32, #tpu.memory_space<hbm>> -> memref<1x2560x128xi32, #tpu.memory_space<hbm>>
      %dma_wait3A_40 = tpu.memref_squeeze %dma_wait3A_39 : memref<1x2560x128xi32, #tpu.memory_space<hbm>> -> memref<2560x128xi32, #tpu.memory_space<hbm>>
      %dma_wait3A_41 = arith.constant 0 : i32
      %dma_wait3A_42 = tpu.memref_slice %dma_wait3A_40[%mul3A_2, %dma_wait3A_41] : memref<2560x128xi32, #tpu.memory_space<hbm>> -> memref<80x128xi32, #tpu.memory_space<hbm>>
      tpu.wait_dma2 semaphore(%run_scoped3A_19 : memref<!tpu.dma_semaphore, #tpu.memory_space<semaphore_mem>>) src(%dma_wait3A_42 : memref<80x128xi32, #tpu.memory_space<hbm>>) dst(%arg8 : memref<80x128xi32, #tpu.memory_space<vmem>>)
      tpu.yield
    }) : () -> ()
    %mul3A_3 = arith.constant 80 : i32
    %mul3A_4 = arith.muli %add3A, %mul3A_3 : i32
    %run_scoped3A_5 = arith.constant 1 : i32
    "tpu.region"() ({
      %run_scoped3A_19 = tpu.sem_alloc : memref<!tpu.dma_semaphore, #tpu.memory_space<semaphore_mem>>
      %dma_start3A_20 = arith.constant 0 : i32
      %dma_start3A_21 = arith.constant 0 : i32
      %dma_start3A_22 = tpu.memref_slice %arg3[%run_scoped3A_5, %dma_start3A_20, %dma_start3A_21] : memref<2x2560x128xi32, #tpu.memory_space<hbm>> -> memref<1x2560x128xi32, #tpu.memory_space<hbm>>
      %dma_start3A_23 = tpu.memref_squeeze %dma_start3A_22 : memref<1x2560x128xi32, #tpu.memory_space<hbm>> -> memref<2560x128xi32, #tpu.memory_space<hbm>>
      %dma_start3A_24 = arith.constant 0 : i32
      %dma_start3A_25 = tpu.memref_slice %dma_start3A_23[%mul3A_4, %dma_start3A_24] : memref<2560x128xi32, #tpu.memory_space<hbm>> -> memref<80x128xi32, #tpu.memory_space<hbm>>
      %dma_start3A_26 = arith.constant 0 : i32
      %dma_start3A_27 = arith.constant 0 : i32
      %dma_start3A_28 = tpu.memref_slice %arg3[%run_scoped3A_5, %dma_start3A_26, %dma_start3A_27] : memref<2x2560x128xi32, #tpu.memory_space<hbm>> -> memref<1x2560x128xi32, #tpu.memory_space<hbm>>
      %dma_start3A_29 = tpu.memref_squeeze %dma_start3A_28 : memref<1x2560x128xi32, #tpu.memory_space<hbm>> -> memref<2560x128xi32, #tpu.memory_space<hbm>>
      %dma_start3A_30 = arith.constant 0 : i32
      %dma_start3A_31 = tpu.memref_slice %dma_start3A_29[%mul3A_4, %dma_start3A_30] : memref<2560x128xi32, #tpu.memory_space<hbm>> -> memref<80x128xi32, #tpu.memory_space<hbm>>
      tpu.enqueue_dma source(%dma_start3A_31 : memref<80x128xi32, #tpu.memory_space<hbm>>) target(%arg9 : memref<80x128xi32, #tpu.memory_space<vmem>>) target_semaphore(%run_scoped3A_19 : memref<!tpu.dma_semaphore, #tpu.memory_space<semaphore_mem>>)
      %dma_wait3A = arith.constant 0 : i32
      %dma_wait3A_32 = arith.constant 0 : i32
      %dma_wait3A_33 = tpu.memref_slice %arg3[%run_scoped3A_5, %dma_wait3A, %dma_wait3A_32] : memref<2x2560x128xi32, #tpu.memory_space<hbm>> -> memref<1x2560x128xi32, #tpu.memory_space<hbm>>
      %dma_wait3A_34 = tpu.memref_squeeze %dma_wait3A_33 : memref<1x2560x128xi32, #tpu.memory_space<hbm>> -> memref<2560x128xi32, #tpu.memory_space<hbm>>
      %dma_wait3A_35 = arith.constant 0 : i32
      %dma_wait3A_36 = tpu.memref_slice %dma_wait3A_34[%mul3A_4, %dma_wait3A_35] : memref<2560x128xi32, #tpu.memory_space<hbm>> -> memref<80x128xi32, #tpu.memory_space<hbm>>
      %dma_wait3A_37 = arith.constant 0 : i32
      %dma_wait3A_38 = arith.constant 0 : i32
      %dma_wait3A_39 = tpu.memref_slice %arg3[%run_scoped3A_5, %dma_wait3A_37, %dma_wait3A_38] : memref<2x2560x128xi32, #tpu.memory_space<hbm>> -> memref<1x2560x128xi32, #tpu.memory_space<hbm>>
      %dma_wait3A_40 = tpu.memref_squeeze %dma_wait3A_39 : memref<1x2560x128xi32, #tpu.memory_space<hbm>> -> memref<2560x128xi32, #tpu.memory_space<hbm>>
      %dma_wait3A_41 = arith.constant 0 : i32
      %dma_wait3A_42 = tpu.memref_slice %dma_wait3A_40[%mul3A_4, %dma_wait3A_41] : memref<2560x128xi32, #tpu.memory_space<hbm>> -> memref<80x128xi32, #tpu.memory_space<hbm>>
      tpu.wait_dma2 semaphore(%run_scoped3A_19 : memref<!tpu.dma_semaphore, #tpu.memory_space<semaphore_mem>>) src(%dma_wait3A_42 : memref<80x128xi32, #tpu.memory_space<hbm>>) dst(%arg9 : memref<80x128xi32, #tpu.memory_space<vmem>>)
      tpu.yield
    }) : () -> ()
    %mul3A_6 = arith.constant 640 : i32
    %mul3A_7 = arith.muli %arg1, %mul3A_6 : i32
    "tpu.region"() ({
      %run_scoped3A_19 = tpu.sem_alloc : memref<!tpu.dma_semaphore, #tpu.memory_space<semaphore_mem>>
      %dma_start3A_20 = arith.constant 0 : i32
      %dma_start3A_21 = tpu.memref_slice %arg7[%mul3A_7, %dma_start3A_20] : memref<10240x32xf32, #tpu.memory_space<vmem_shared>> -> memref<640x32xf32, #tpu.memory_space<vmem_shared>>
      %dma_start3A_22 = arith.constant 0 : i32
      %dma_start3A_23 = tpu.memref_slice %arg2[%mul3A_7, %dma_start3A_22] : memref<10240x32xf32, #tpu.memory_space<hbm>> -> memref<640x32xf32, #tpu.memory_space<hbm>>
      tpu.enqueue_dma source(%dma_start3A_23 : memref<640x32xf32, #tpu.memory_space<hbm>>) target(%dma_start3A_21 : memref<640x32xf32, #tpu.memory_space<vmem_shared>>) target_semaphore(%run_scoped3A_19 : memref<!tpu.dma_semaphore, #tpu.memory_space<semaphore_mem>>)
      %dma_wait3A = arith.constant 0 : i32
      %dma_wait3A_24 = tpu.memref_slice %arg7[%mul3A_7, %dma_wait3A] : memref<10240x32xf32, #tpu.memory_space<vmem_shared>> -> memref<640x32xf32, #tpu.memory_space<vmem_shared>>
      %dma_wait3A_25 = arith.constant 0 : i32
      %dma_wait3A_26 = tpu.memref_slice %arg2[%mul3A_7, %dma_wait3A_25] : memref<10240x32xf32, #tpu.memory_space<hbm>> -> memref<640x32xf32, #tpu.memory_space<hbm>>
      tpu.wait_dma2 semaphore(%run_scoped3A_19 : memref<!tpu.dma_semaphore, #tpu.memory_space<semaphore_mem>>) src(%dma_wait3A_26 : memref<640x32xf32, #tpu.memory_space<hbm>>) dst(%dma_wait3A_24 : memref<640x32xf32, #tpu.memory_space<vmem_shared>>)
      tpu.yield
    }) : () -> ()
    "tpu.region"() ({
      %run_scoped3A_19 = tpu.sem_alloc : memref<!tpu.dma_semaphore, #tpu.memory_space<semaphore_mem>>
      %dma_start3A_20 = arith.constant 0 : i32
      %dma_start3A_21 = tpu.memref_slice %arg6[%mul3A_7, %dma_start3A_20] : memref<10240x32xf32, #tpu.memory_space<vmem_shared>> -> memref<640x32xf32, #tpu.memory_space<vmem_shared>>
      tpu.enqueue_dma source(%arg4 : memref<640x32xf32, #tpu.memory_space<hbm>>) target(%dma_start3A_21 : memref<640x32xf32, #tpu.memory_space<vmem_shared>>) target_semaphore(%run_scoped3A_19 : memref<!tpu.dma_semaphore, #tpu.memory_space<semaphore_mem>>)
      %dma_wait3A = arith.constant 0 : i32
      %dma_wait3A_22 = tpu.memref_slice %arg6[%mul3A_7, %dma_wait3A] : memref<10240x32xf32, #tpu.memory_space<vmem_shared>> -> memref<640x32xf32, #tpu.memory_space<vmem_shared>>
      tpu.wait_dma2 semaphore(%run_scoped3A_19 : memref<!tpu.dma_semaphore, #tpu.memory_space<semaphore_mem>>) src(%arg4 : memref<640x32xf32, #tpu.memory_space<hbm>>) dst(%dma_wait3A_22 : memref<640x32xf32, #tpu.memory_space<vmem_shared>>)
      tpu.yield
    }) : () -> ()
    %barrier3A = arith.constant 0 : index
    tpu.barrier barrier_id(%barrier3A)
    %dma_start3A = arith.constant 0 : i32
    %dma_start3A_8 = arith.constant 0 : i32
    %dma_start3A_9 = tpu.memref_slice %arg8[%dma_start3A, %dma_start3A_8] : memref<80x128xi32, #tpu.memory_space<vmem>> -> memref<1x128xi32, #tpu.memory_space<vmem>>
    %dma_start3A_10 = tpu.memref_squeeze %dma_start3A_9 : memref<1x128xi32, #tpu.memory_space<vmem>> -> memref<128xi32, #tpu.memory_space<vmem>>
    %dma_start3A_11 = arith.constant 0 : i32
    %dma_start3A_12 = arith.constant 0 : i32
    %dma_start3A_13 = tpu.memref_slice %arg7[%dma_start3A_11, %dma_start3A_12] : memref<10240x32xf32, #tpu.memory_space<vmem_shared>> -> memref<10240x32xf32, #tpu.memory_space<vmem_shared>>
    tpu.enqueue_indirect_dma source(%dma_start3A_13 : memref<10240x32xf32, #tpu.memory_space<vmem_shared>>) target(%arg10 : memref<128x32xf32, #tpu.memory_space<vmem>>) offsets(%dma_start3A_10 : memref<128xi32, #tpu.memory_space<vmem>>) semaphore(%arg12 : memref<!tpu.dma_semaphore, #tpu.memory_space<semaphore_mem>>)
    %scan3A = arith.constant 0 : i32
    %scan3A_14 = arith.constant 40 : i32
    %scan3A_15 = arith.addi %scan3A, %scan3A_14 : i32
    %scan3A_16 = arith.constant 1 : i32
    scf.for %scan3A_19 = %scan3A to %scan3A_15 step %scan3A_16  : i32 {
      %mul3A_20 = arith.constant 2 : i32
      %mul3A_21 = arith.muli %scan3A_19, %mul3A_20 : i32
      %add3A_22 = arith.constant 0 : i32
      %add3A_23 = arith.addi %add3A_22, %mul3A_21 : i32
      %dma_wait3A = arith.constant 0 : i32
      %dma_wait3A_24 = tpu.memref_slice %arg8[%add3A_23, %dma_wait3A] : memref<80x128xi32, #tpu.memory_space<vmem>> -> memref<1x128xi32, #tpu.memory_space<vmem>>
      %dma_wait3A_25 = tpu.memref_squeeze %dma_wait3A_24 : memref<1x128xi32, #tpu.memory_space<vmem>> -> memref<128xi32, #tpu.memory_space<vmem>>
      %dma_wait3A_26 = arith.constant 0 : i32
      %dma_wait3A_27 = arith.constant 0 : i32
      %dma_wait3A_28 = tpu.memref_slice %arg7[%dma_wait3A_26, %dma_wait3A_27] : memref<10240x32xf32, #tpu.memory_space<vmem_shared>> -> memref<10240x32xf32, #tpu.memory_space<vmem_shared>>
      tpu.wait_indirect_dma semaphore(%arg12 : memref<!tpu.dma_semaphore, #tpu.memory_space<semaphore_mem>>) src(%dma_wait3A_28 : memref<10240x32xf32, #tpu.memory_space<vmem_shared>>) dst(%arg10 : memref<128x32xf32, #tpu.memory_space<vmem>>)
      %add3A_29 = arith.constant 1 : i32
      %add3A_30 = arith.addi %add3A_23, %add3A_29 : i32
      %dma_start3A_31 = arith.constant 0 : i32
      %dma_start3A_32 = tpu.memref_slice %arg8[%add3A_30, %dma_start3A_31] : memref<80x128xi32, #tpu.memory_space<vmem>> -> memref<1x128xi32, #tpu.memory_space<vmem>>
      %dma_start3A_33 = tpu.memref_squeeze %dma_start3A_32 : memref<1x128xi32, #tpu.memory_space<vmem>> -> memref<128xi32, #tpu.memory_space<vmem>>
      %dma_start3A_34 = arith.constant 0 : i32
      %dma_start3A_35 = arith.constant 0 : i32
      %dma_start3A_36 = tpu.memref_slice %arg7[%dma_start3A_34, %dma_start3A_35] : memref<10240x32xf32, #tpu.memory_space<vmem_shared>> -> memref<10240x32xf32, #tpu.memory_space<vmem_shared>>
      tpu.enqueue_indirect_dma source(%dma_start3A_36 : memref<10240x32xf32, #tpu.memory_space<vmem_shared>>) target(%arg11 : memref<128x32xf32, #tpu.memory_space<vmem>>) offsets(%dma_start3A_33 : memref<128xi32, #tpu.memory_space<vmem>>) semaphore(%arg13 : memref<!tpu.dma_semaphore, #tpu.memory_space<semaphore_mem>>)
      "tpu.region"() ({
        %run_scoped3A_51 = tpu.sem_alloc : memref<!tpu.dma_semaphore, #tpu.memory_space<semaphore_mem>>
        %dma_start3A_52 = arith.constant 0 : i32
        %dma_start3A_53 = tpu.memref_slice %arg9[%add3A_23, %dma_start3A_52] : memref<80x128xi32, #tpu.memory_space<vmem>> -> memref<1x128xi32, #tpu.memory_space<vmem>>
        %dma_start3A_54 = tpu.memref_squeeze %dma_start3A_53 : memref<1x128xi32, #tpu.memory_space<vmem>> -> memref<128xi32, #tpu.memory_space<vmem>>
        %dma_start3A_55 = arith.constant 0 : i32
        %dma_start3A_56 = arith.constant 0 : i32
        %dma_start3A_57 = tpu.memref_slice %arg6[%dma_start3A_55, %dma_start3A_56] : memref<10240x32xf32, #tpu.memory_space<vmem_shared>> -> memref<10240x32xf32, #tpu.memory_space<vmem_shared>>
        tpu.enqueue_indirect_dma source(%arg10 : memref<128x32xf32, #tpu.memory_space<vmem>>) target(%dma_start3A_57 : memref<10240x32xf32, #tpu.memory_space<vmem_shared>>) offsets(%dma_start3A_54 : memref<128xi32, #tpu.memory_space<vmem>>) semaphore(%run_scoped3A_51 : memref<!tpu.dma_semaphore, #tpu.memory_space<semaphore_mem>>) {add = true}
        %dma_wait3A_58 = arith.constant 0 : i32
        %dma_wait3A_59 = tpu.memref_slice %arg9[%add3A_23, %dma_wait3A_58] : memref<80x128xi32, #tpu.memory_space<vmem>> -> memref<1x128xi32, #tpu.memory_space<vmem>>
        %dma_wait3A_60 = tpu.memref_squeeze %dma_wait3A_59 : memref<1x128xi32, #tpu.memory_space<vmem>> -> memref<128xi32, #tpu.memory_space<vmem>>
        %dma_wait3A_61 = arith.constant 0 : i32
        %dma_wait3A_62 = arith.constant 0 : i32
        %dma_wait3A_63 = tpu.memref_slice %arg6[%dma_wait3A_61, %dma_wait3A_62] : memref<10240x32xf32, #tpu.memory_space<vmem_shared>> -> memref<10240x32xf32, #tpu.memory_space<vmem_shared>>
        tpu.wait_indirect_dma semaphore(%run_scoped3A_51 : memref<!tpu.dma_semaphore, #tpu.memory_space<semaphore_mem>>) src(%arg10 : memref<128x32xf32, #tpu.memory_space<vmem>>) dst(%dma_wait3A_63 : memref<10240x32xf32, #tpu.memory_space<vmem_shared>>)
        tpu.yield
      }) : () -> ()
      %add3A_37 = arith.constant 1 : i32
      %add3A_38 = arith.addi %add3A_23, %add3A_37 : i32
      %dma_wait3A_39 = arith.constant 0 : i32
      %dma_wait3A_40 = tpu.memref_slice %arg8[%add3A_38, %dma_wait3A_39] : memref<80x128xi32, #tpu.memory_space<vmem>> -> memref<1x128xi32, #tpu.memory_space<vmem>>
      %dma_wait3A_41 = tpu.memref_squeeze %dma_wait3A_40 : memref<1x128xi32, #tpu.memory_space<vmem>> -> memref<128xi32, #tpu.memory_space<vmem>>
      %dma_wait3A_42 = arith.constant 0 : i32
      %dma_wait3A_43 = arith.constant 0 : i32
      %dma_wait3A_44 = tpu.memref_slice %arg7[%dma_wait3A_42, %dma_wait3A_43] : memref<10240x32xf32, #tpu.memory_space<vmem_shared>> -> memref<10240x32xf32, #tpu.memory_space<vmem_shared>>
      tpu.wait_indirect_dma semaphore(%arg13 : memref<!tpu.dma_semaphore, #tpu.memory_space<semaphore_mem>>) src(%dma_wait3A_44 : memref<10240x32xf32, #tpu.memory_space<vmem_shared>>) dst(%arg11 : memref<128x32xf32, #tpu.memory_space<vmem>>)
      %add3A_45 = arith.constant 2 : i32
      %add3A_46 = arith.addi %add3A_23, %add3A_45 : i32
      %lt3A = arith.constant 80 : i32
      %lt3A_47 = arith.cmpi slt, %add3A_46, %lt3A : i32
      %convert_element_type3A = arith.extui %lt3A_47 : i1 to i32
      %cond3A = arith.constant 0 : i32
      %cond3A_48 = arith.cmpi ne, %convert_element_type3A, %cond3A : i32
      scf.if %cond3A_48 {
        %add3A_51 = arith.constant 2 : i32
        %add3A_52 = arith.addi %add3A_23, %add3A_51 : i32
        %dma_start3A_53 = arith.constant 0 : i32
        %dma_start3A_54 = tpu.memref_slice %arg8[%add3A_52, %dma_start3A_53] : memref<80x128xi32, #tpu.memory_space<vmem>> -> memref<1x128xi32, #tpu.memory_space<vmem>>
        %dma_start3A_55 = tpu.memref_squeeze %dma_start3A_54 : memref<1x128xi32, #tpu.memory_space<vmem>> -> memref<128xi32, #tpu.memory_space<vmem>>
        %dma_start3A_56 = arith.constant 0 : i32
        %dma_start3A_57 = arith.constant 0 : i32
        %dma_start3A_58 = tpu.memref_slice %arg7[%dma_start3A_56, %dma_start3A_57] : memref<10240x32xf32, #tpu.memory_space<vmem_shared>> -> memref<10240x32xf32, #tpu.memory_space<vmem_shared>>
        tpu.enqueue_indirect_dma source(%dma_start3A_58 : memref<10240x32xf32, #tpu.memory_space<vmem_shared>>) target(%arg10 : memref<128x32xf32, #tpu.memory_space<vmem>>) offsets(%dma_start3A_55 : memref<128xi32, #tpu.memory_space<vmem>>) semaphore(%arg12 : memref<!tpu.dma_semaphore, #tpu.memory_space<semaphore_mem>>)
      } else {
      }
      %add3A_49 = arith.constant 1 : i32
      %add3A_50 = arith.addi %add3A_23, %add3A_49 : i32
      "tpu.region"() ({
        %run_scoped3A_51 = tpu.sem_alloc : memref<!tpu.dma_semaphore, #tpu.memory_space<semaphore_mem>>
        %dma_start3A_52 = arith.constant 0 : i32
        %dma_start3A_53 = tpu.memref_slice %arg9[%add3A_50, %dma_start3A_52] : memref<80x128xi32, #tpu.memory_space<vmem>> -> memref<1x128xi32, #tpu.memory_space<vmem>>
        %dma_start3A_54 = tpu.memref_squeeze %dma_start3A_53 : memref<1x128xi32, #tpu.memory_space<vmem>> -> memref<128xi32, #tpu.memory_space<vmem>>
        %dma_start3A_55 = arith.constant 0 : i32
        %dma_start3A_56 = arith.constant 0 : i32
        %dma_start3A_57 = tpu.memref_slice %arg6[%dma_start3A_55, %dma_start3A_56] : memref<10240x32xf32, #tpu.memory_space<vmem_shared>> -> memref<10240x32xf32, #tpu.memory_space<vmem_shared>>
        tpu.enqueue_indirect_dma source(%arg11 : memref<128x32xf32, #tpu.memory_space<vmem>>) target(%dma_start3A_57 : memref<10240x32xf32, #tpu.memory_space<vmem_shared>>) offsets(%dma_start3A_54 : memref<128xi32, #tpu.memory_space<vmem>>) semaphore(%run_scoped3A_51 : memref<!tpu.dma_semaphore, #tpu.memory_space<semaphore_mem>>) {add = true}
        %dma_wait3A_58 = arith.constant 0 : i32
        %dma_wait3A_59 = tpu.memref_slice %arg9[%add3A_50, %dma_wait3A_58] : memref<80x128xi32, #tpu.memory_space<vmem>> -> memref<1x128xi32, #tpu.memory_space<vmem>>
        %dma_wait3A_60 = tpu.memref_squeeze %dma_wait3A_59 : memref<1x128xi32, #tpu.memory_space<vmem>> -> memref<128xi32, #tpu.memory_space<vmem>>
        %dma_wait3A_61 = arith.constant 0 : i32
        %dma_wait3A_62 = arith.constant 0 : i32
        %dma_wait3A_63 = tpu.memref_slice %arg6[%dma_wait3A_61, %dma_wait3A_62] : memref<10240x32xf32, #tpu.memory_space<vmem_shared>> -> memref<10240x32xf32, #tpu.memory_space<vmem_shared>>
        tpu.wait_indirect_dma semaphore(%run_scoped3A_51 : memref<!tpu.dma_semaphore, #tpu.memory_space<semaphore_mem>>) src(%arg11 : memref<128x32xf32, #tpu.memory_space<vmem>>) dst(%dma_wait3A_63 : memref<10240x32xf32, #tpu.memory_space<vmem_shared>>)
        tpu.yield
      }) : () -> ()
    }
    %scan3A_17 = arith.constant 40 : i32
    %barrier3A_18 = arith.constant 0 : index
    tpu.barrier barrier_id(%barrier3A_18)
    "tpu.region"() ({
      %run_scoped3A_19 = tpu.sem_alloc : memref<!tpu.dma_semaphore, #tpu.memory_space<semaphore_mem>>
      %dma_start3A_20 = arith.constant 0 : i32
      %dma_start3A_21 = arith.constant 0 : i32
      %dma_start3A_22 = tpu.memref_slice %arg5[%arg0, %dma_start3A_20, %dma_start3A_21] : memref<2x10240x32xf32, #tpu.memory_space<hbm>> -> memref<1x10240x32xf32, #tpu.memory_space<hbm>>
      %dma_start3A_23 = tpu.memref_squeeze %dma_start3A_22 : memref<1x10240x32xf32, #tpu.memory_space<hbm>> -> memref<10240x32xf32, #tpu.memory_space<hbm>>
      %dma_start3A_24 = arith.constant 0 : i32
      %dma_start3A_25 = tpu.memref_slice %dma_start3A_23[%mul3A_7, %dma_start3A_24] : memref<10240x32xf32, #tpu.memory_space<hbm>> -> memref<640x32xf32, #tpu.memory_space<hbm>>
      %dma_start3A_26 = arith.constant 0 : i32
      %dma_start3A_27 = tpu.memref_slice %arg6[%mul3A_7, %dma_start3A_26] : memref<10240x32xf32, #tpu.memory_space<vmem_shared>> -> memref<640x32xf32, #tpu.memory_space<vmem_shared>>
      tpu.enqueue_dma source(%dma_start3A_27 : memref<640x32xf32, #tpu.memory_space<vmem_shared>>) target(%dma_start3A_25 : memref<640x32xf32, #tpu.memory_space<hbm>>) target_semaphore(%run_scoped3A_19 : memref<!tpu.dma_semaphore, #tpu.memory_space<semaphore_mem>>)
      %dma_wait3A = arith.constant 0 : i32
      %dma_wait3A_28 = arith.constant 0 : i32
      %dma_wait3A_29 = tpu.memref_slice %arg5[%arg0, %dma_wait3A, %dma_wait3A_28] : memref<2x10240x32xf32, #tpu.memory_space<hbm>> -> memref<1x10240x32xf32, #tpu.memory_space<hbm>>
      %dma_wait3A_30 = tpu.memref_squeeze %dma_wait3A_29 : memref<1x10240x32xf32, #tpu.memory_space<hbm>> -> memref<10240x32xf32, #tpu.memory_space<hbm>>
      %dma_wait3A_31 = arith.constant 0 : i32
      %dma_wait3A_32 = tpu.memref_slice %dma_wait3A_30[%mul3A_7, %dma_wait3A_31] : memref<10240x32xf32, #tpu.memory_space<hbm>> -> memref<640x32xf32, #tpu.memory_space<hbm>>
      %dma_wait3A_33 = arith.constant 0 : i32
      %dma_wait3A_34 = tpu.memref_slice %arg6[%mul3A_7, %dma_wait3A_33] : memref<10240x32xf32, #tpu.memory_space<vmem_shared>> -> memref<640x32xf32, #tpu.memory_space<vmem_shared>>
      tpu.wait_dma2 semaphore(%run_scoped3A_19 : memref<!tpu.dma_semaphore, #tpu.memory_space<semaphore_mem>>) src(%dma_wait3A_34 : memref<640x32xf32, #tpu.memory_space<vmem_shared>>) dst(%dma_wait3A_32 : memref<640x32xf32, #tpu.memory_space<hbm>>)
      tpu.yield
    }) : () -> ()
    return
  }
}

#map = affine_map<(d0, d1) -> (0, 0, 0)>
#map1 = affine_map<(d0, d1) -> (0, 0)>
module attributes {stable_mosaic.version = 14 : i64} {
  func.func @deg_kernel(%arg0: i32, %arg1: i32, %arg2: memref<2x2560x128xi32, #tpu.memory_space<hbm>>, %arg3: memref<640x8xf32, #tpu.memory_space<hbm>>, %arg4: memref<128x8xf32, #tpu.memory_space<hbm>>, %arg5: memref<2x10240x8xf32, #tpu.memory_space<hbm>>, %arg6: memref<10240x8xf32, #tpu.memory_space<vmem_shared>>, %arg7: memref<80x128xi32, #tpu.memory_space<vmem>>, %arg8: memref<128x8xf32, #tpu.memory_space<vmem>>) attributes {dimension_semantics = [#tpu.dimension_semantics<core_parallel>, #tpu.dimension_semantics<subcore_parallel>], iteration_bounds = array<i64: 2, 16>, scalar_prefetch = 0 : i64, scratch_operands = 3 : i64, tpu.core_type = #tpu.core_type<sc_vector_subcore>, window_params = [{transform_indices = #map}, {transform_indices = #map1}, {transform_indices = #map1}, {transform_indices = #map}]} {
    %mul3A = arith.constant 16 : i32
    %mul3A_0 = arith.muli %arg0, %mul3A : i32
    %add3A = arith.addi %mul3A_0, %arg1 : i32
    %mul3A_1 = arith.constant 80 : i32
    %mul3A_2 = arith.muli %add3A, %mul3A_1 : i32
    %run_scoped3A = arith.constant 1 : i32
    "tpu.region"() ({
      %run_scoped3A_10 = tpu.sem_alloc : memref<!tpu.dma_semaphore, #tpu.memory_space<semaphore_mem>>
      %dma_start3A = arith.constant 0 : i32
      %dma_start3A_11 = arith.constant 0 : i32
      %dma_start3A_12 = tpu.memref_slice %arg2[%run_scoped3A, %dma_start3A, %dma_start3A_11] : memref<2x2560x128xi32, #tpu.memory_space<hbm>> -> memref<1x2560x128xi32, #tpu.memory_space<hbm>>
      %dma_start3A_13 = tpu.memref_squeeze %dma_start3A_12 : memref<1x2560x128xi32, #tpu.memory_space<hbm>> -> memref<2560x128xi32, #tpu.memory_space<hbm>>
      %dma_start3A_14 = arith.constant 0 : i32
      %dma_start3A_15 = tpu.memref_slice %dma_start3A_13[%mul3A_2, %dma_start3A_14] : memref<2560x128xi32, #tpu.memory_space<hbm>> -> memref<80x128xi32, #tpu.memory_space<hbm>>
      %dma_start3A_16 = arith.constant 0 : i32
      %dma_start3A_17 = arith.constant 0 : i32
      %dma_start3A_18 = tpu.memref_slice %arg2[%run_scoped3A, %dma_start3A_16, %dma_start3A_17] : memref<2x2560x128xi32, #tpu.memory_space<hbm>> -> memref<1x2560x128xi32, #tpu.memory_space<hbm>>
      %dma_start3A_19 = tpu.memref_squeeze %dma_start3A_18 : memref<1x2560x128xi32, #tpu.memory_space<hbm>> -> memref<2560x128xi32, #tpu.memory_space<hbm>>
      %dma_start3A_20 = arith.constant 0 : i32
      %dma_start3A_21 = tpu.memref_slice %dma_start3A_19[%mul3A_2, %dma_start3A_20] : memref<2560x128xi32, #tpu.memory_space<hbm>> -> memref<80x128xi32, #tpu.memory_space<hbm>>
      tpu.enqueue_dma source(%dma_start3A_21 : memref<80x128xi32, #tpu.memory_space<hbm>>) target(%arg7 : memref<80x128xi32, #tpu.memory_space<vmem>>) target_semaphore(%run_scoped3A_10 : memref<!tpu.dma_semaphore, #tpu.memory_space<semaphore_mem>>)
      %dma_wait3A = arith.constant 0 : i32
      %dma_wait3A_22 = arith.constant 0 : i32
      %dma_wait3A_23 = tpu.memref_slice %arg2[%run_scoped3A, %dma_wait3A, %dma_wait3A_22] : memref<2x2560x128xi32, #tpu.memory_space<hbm>> -> memref<1x2560x128xi32, #tpu.memory_space<hbm>>
      %dma_wait3A_24 = tpu.memref_squeeze %dma_wait3A_23 : memref<1x2560x128xi32, #tpu.memory_space<hbm>> -> memref<2560x128xi32, #tpu.memory_space<hbm>>
      %dma_wait3A_25 = arith.constant 0 : i32
      %dma_wait3A_26 = tpu.memref_slice %dma_wait3A_24[%mul3A_2, %dma_wait3A_25] : memref<2560x128xi32, #tpu.memory_space<hbm>> -> memref<80x128xi32, #tpu.memory_space<hbm>>
      %dma_wait3A_27 = arith.constant 0 : i32
      %dma_wait3A_28 = arith.constant 0 : i32
      %dma_wait3A_29 = tpu.memref_slice %arg2[%run_scoped3A, %dma_wait3A_27, %dma_wait3A_28] : memref<2x2560x128xi32, #tpu.memory_space<hbm>> -> memref<1x2560x128xi32, #tpu.memory_space<hbm>>
      %dma_wait3A_30 = tpu.memref_squeeze %dma_wait3A_29 : memref<1x2560x128xi32, #tpu.memory_space<hbm>> -> memref<2560x128xi32, #tpu.memory_space<hbm>>
      %dma_wait3A_31 = arith.constant 0 : i32
      %dma_wait3A_32 = tpu.memref_slice %dma_wait3A_30[%mul3A_2, %dma_wait3A_31] : memref<2560x128xi32, #tpu.memory_space<hbm>> -> memref<80x128xi32, #tpu.memory_space<hbm>>
      tpu.wait_dma2 semaphore(%run_scoped3A_10 : memref<!tpu.dma_semaphore, #tpu.memory_space<semaphore_mem>>) src(%dma_wait3A_32 : memref<80x128xi32, #tpu.memory_space<hbm>>) dst(%arg7 : memref<80x128xi32, #tpu.memory_space<vmem>>)
      tpu.yield
    }) : () -> ()
    "tpu.region"() ({
      %run_scoped3A_10 = tpu.sem_alloc : memref<!tpu.dma_semaphore, #tpu.memory_space<semaphore_mem>>
      tpu.enqueue_dma source(%arg4 : memref<128x8xf32, #tpu.memory_space<hbm>>) target(%arg8 : memref<128x8xf32, #tpu.memory_space<vmem>>) target_semaphore(%run_scoped3A_10 : memref<!tpu.dma_semaphore, #tpu.memory_space<semaphore_mem>>)
      tpu.wait_dma2 semaphore(%run_scoped3A_10 : memref<!tpu.dma_semaphore, #tpu.memory_space<semaphore_mem>>) src(%arg4 : memref<128x8xf32, #tpu.memory_space<hbm>>) dst(%arg8 : memref<128x8xf32, #tpu.memory_space<vmem>>)
      tpu.yield
    }) : () -> ()
    %mul3A_3 = arith.constant 640 : i32
    %mul3A_4 = arith.muli %arg1, %mul3A_3 : i32
    "tpu.region"() ({
      %run_scoped3A_10 = tpu.sem_alloc : memref<!tpu.dma_semaphore, #tpu.memory_space<semaphore_mem>>
      %dma_start3A = arith.constant 0 : i32
      %dma_start3A_11 = tpu.memref_slice %arg6[%mul3A_4, %dma_start3A] : memref<10240x8xf32, #tpu.memory_space<vmem_shared>> -> memref<640x8xf32, #tpu.memory_space<vmem_shared>>
      tpu.enqueue_dma source(%arg3 : memref<640x8xf32, #tpu.memory_space<hbm>>) target(%dma_start3A_11 : memref<640x8xf32, #tpu.memory_space<vmem_shared>>) target_semaphore(%run_scoped3A_10 : memref<!tpu.dma_semaphore, #tpu.memory_space<semaphore_mem>>)
      %dma_wait3A = arith.constant 0 : i32
      %dma_wait3A_12 = tpu.memref_slice %arg6[%mul3A_4, %dma_wait3A] : memref<10240x8xf32, #tpu.memory_space<vmem_shared>> -> memref<640x8xf32, #tpu.memory_space<vmem_shared>>
      tpu.wait_dma2 semaphore(%run_scoped3A_10 : memref<!tpu.dma_semaphore, #tpu.memory_space<semaphore_mem>>) src(%arg3 : memref<640x8xf32, #tpu.memory_space<hbm>>) dst(%dma_wait3A_12 : memref<640x8xf32, #tpu.memory_space<vmem_shared>>)
      tpu.yield
    }) : () -> ()
    %barrier3A = arith.constant 0 : index
    tpu.barrier barrier_id(%barrier3A)
    %scan3A = arith.constant 0 : i32
    %scan3A_5 = arith.constant 80 : i32
    %scan3A_6 = arith.addi %scan3A, %scan3A_5 : i32
    %scan3A_7 = arith.constant 1 : i32
    scf.for %scan3A_10 = %scan3A to %scan3A_6 step %scan3A_7  : i32 {
      %mul3A_11 = arith.constant 1 : i32
      %mul3A_12 = arith.muli %scan3A_10, %mul3A_11 : i32
      %add3A_13 = arith.constant 0 : i32
      %add3A_14 = arith.addi %add3A_13, %mul3A_12 : i32
      "tpu.region"() ({
        %run_scoped3A_15 = tpu.sem_alloc : memref<!tpu.dma_semaphore, #tpu.memory_space<semaphore_mem>>
        %dma_start3A = arith.constant 0 : i32
        %dma_start3A_16 = tpu.memref_slice %arg7[%add3A_14, %dma_start3A] : memref<80x128xi32, #tpu.memory_space<vmem>> -> memref<1x128xi32, #tpu.memory_space<vmem>>
        %dma_start3A_17 = tpu.memref_squeeze %dma_start3A_16 : memref<1x128xi32, #tpu.memory_space<vmem>> -> memref<128xi32, #tpu.memory_space<vmem>>
        %dma_start3A_18 = arith.constant 0 : i32
        %dma_start3A_19 = arith.constant 0 : i32
        %dma_start3A_20 = tpu.memref_slice %arg6[%dma_start3A_18, %dma_start3A_19] : memref<10240x8xf32, #tpu.memory_space<vmem_shared>> -> memref<10240x8xf32, #tpu.memory_space<vmem_shared>>
        tpu.enqueue_indirect_dma source(%arg8 : memref<128x8xf32, #tpu.memory_space<vmem>>) target(%dma_start3A_20 : memref<10240x8xf32, #tpu.memory_space<vmem_shared>>) offsets(%dma_start3A_17 : memref<128xi32, #tpu.memory_space<vmem>>) semaphore(%run_scoped3A_15 : memref<!tpu.dma_semaphore, #tpu.memory_space<semaphore_mem>>) {add = true}
        %dma_wait3A = arith.constant 0 : i32
        %dma_wait3A_21 = tpu.memref_slice %arg7[%add3A_14, %dma_wait3A] : memref<80x128xi32, #tpu.memory_space<vmem>> -> memref<1x128xi32, #tpu.memory_space<vmem>>
        %dma_wait3A_22 = tpu.memref_squeeze %dma_wait3A_21 : memref<1x128xi32, #tpu.memory_space<vmem>> -> memref<128xi32, #tpu.memory_space<vmem>>
        %dma_wait3A_23 = arith.constant 0 : i32
        %dma_wait3A_24 = arith.constant 0 : i32
        %dma_wait3A_25 = tpu.memref_slice %arg6[%dma_wait3A_23, %dma_wait3A_24] : memref<10240x8xf32, #tpu.memory_space<vmem_shared>> -> memref<10240x8xf32, #tpu.memory_space<vmem_shared>>
        tpu.wait_indirect_dma semaphore(%run_scoped3A_15 : memref<!tpu.dma_semaphore, #tpu.memory_space<semaphore_mem>>) src(%arg8 : memref<128x8xf32, #tpu.memory_space<vmem>>) dst(%dma_wait3A_25 : memref<10240x8xf32, #tpu.memory_space<vmem_shared>>)
        tpu.yield
      }) : () -> ()
    }
    %scan3A_8 = arith.constant 80 : i32
    %barrier3A_9 = arith.constant 0 : index
    tpu.barrier barrier_id(%barrier3A_9)
    "tpu.region"() ({
      %run_scoped3A_10 = tpu.sem_alloc : memref<!tpu.dma_semaphore, #tpu.memory_space<semaphore_mem>>
      %dma_start3A = arith.constant 0 : i32
      %dma_start3A_11 = arith.constant 0 : i32
      %dma_start3A_12 = tpu.memref_slice %arg5[%arg0, %dma_start3A, %dma_start3A_11] : memref<2x10240x8xf32, #tpu.memory_space<hbm>> -> memref<1x10240x8xf32, #tpu.memory_space<hbm>>
      %dma_start3A_13 = tpu.memref_squeeze %dma_start3A_12 : memref<1x10240x8xf32, #tpu.memory_space<hbm>> -> memref<10240x8xf32, #tpu.memory_space<hbm>>
      %dma_start3A_14 = arith.constant 0 : i32
      %dma_start3A_15 = tpu.memref_slice %dma_start3A_13[%mul3A_4, %dma_start3A_14] : memref<10240x8xf32, #tpu.memory_space<hbm>> -> memref<640x8xf32, #tpu.memory_space<hbm>>
      %dma_start3A_16 = arith.constant 0 : i32
      %dma_start3A_17 = tpu.memref_slice %arg6[%mul3A_4, %dma_start3A_16] : memref<10240x8xf32, #tpu.memory_space<vmem_shared>> -> memref<640x8xf32, #tpu.memory_space<vmem_shared>>
      tpu.enqueue_dma source(%dma_start3A_17 : memref<640x8xf32, #tpu.memory_space<vmem_shared>>) target(%dma_start3A_15 : memref<640x8xf32, #tpu.memory_space<hbm>>) target_semaphore(%run_scoped3A_10 : memref<!tpu.dma_semaphore, #tpu.memory_space<semaphore_mem>>)
      %dma_wait3A = arith.constant 0 : i32
      %dma_wait3A_18 = arith.constant 0 : i32
      %dma_wait3A_19 = tpu.memref_slice %arg5[%arg0, %dma_wait3A, %dma_wait3A_18] : memref<2x10240x8xf32, #tpu.memory_space<hbm>> -> memref<1x10240x8xf32, #tpu.memory_space<hbm>>
      %dma_wait3A_20 = tpu.memref_squeeze %dma_wait3A_19 : memref<1x10240x8xf32, #tpu.memory_space<hbm>> -> memref<10240x8xf32, #tpu.memory_space<hbm>>
      %dma_wait3A_21 = arith.constant 0 : i32
      %dma_wait3A_22 = tpu.memref_slice %dma_wait3A_20[%mul3A_4, %dma_wait3A_21] : memref<10240x8xf32, #tpu.memory_space<hbm>> -> memref<640x8xf32, #tpu.memory_space<hbm>>
      %dma_wait3A_23 = arith.constant 0 : i32
      %dma_wait3A_24 = tpu.memref_slice %arg6[%mul3A_4, %dma_wait3A_23] : memref<10240x8xf32, #tpu.memory_space<vmem_shared>> -> memref<640x8xf32, #tpu.memory_space<vmem_shared>>
      tpu.wait_dma2 semaphore(%run_scoped3A_10 : memref<!tpu.dma_semaphore, #tpu.memory_space<semaphore_mem>>) src(%dma_wait3A_24 : memref<640x8xf32, #tpu.memory_space<vmem_shared>>) dst(%dma_wait3A_22 : memref<640x8xf32, #tpu.memory_space<hbm>>)
      tpu.yield
    }) : () -> ()
    return
  }
}

#map = affine_map<(d0, d1) -> (0, 0)>
#map1 = affine_map<(d0, d1) -> (0, 0, 0)>
module attributes {stable_mosaic.version = 14 : i64} {
  func.func @agg_kernel(%arg0: i32, %arg1: i32, %arg2: memref<10240x32xf32, #tpu.memory_space<hbm>>, %arg3: memref<2x2560x128xi32, #tpu.memory_space<hbm>>, %arg4: memref<640x32xf32, #tpu.memory_space<hbm>>, %arg5: memref<2x10240x32xf32, #tpu.memory_space<hbm>>, %arg6: memref<10240x32xf32, #tpu.memory_space<vmem_shared>>, %arg7: memref<10240x32xf32, #tpu.memory_space<vmem_shared>>, %arg8: memref<80x128xi32, #tpu.memory_space<vmem>>, %arg9: memref<80x128xi32, #tpu.memory_space<vmem>>, %arg10: memref<128x32xf32, #tpu.memory_space<vmem>>, %arg11: memref<128x32xf32, #tpu.memory_space<vmem>>, %arg12: memref<!tpu.dma_semaphore, #tpu.memory_space<semaphore_mem>>, %arg13: memref<!tpu.dma_semaphore, #tpu.memory_space<semaphore_mem>>) attributes {dimension_semantics = [#tpu.dimension_semantics<core_parallel>, #tpu.dimension_semantics<subcore_parallel>], iteration_bounds = array<i64: 2, 16>, scalar_prefetch = 0 : i64, scratch_operands = 8 : i64, tpu.core_type = #tpu.core_type<sc_vector_subcore>, window_params = [{transform_indices = #map}, {transform_indices = #map1}, {transform_indices = #map}, {transform_indices = #map1}]} {
    %mul3A = arith.constant 16 : i32
    %mul3A_0 = arith.muli %arg0, %mul3A : i32
    %add3A = arith.addi %mul3A_0, %arg1 : i32
    %mul3A_1 = arith.constant 80 : i32
    %mul3A_2 = arith.muli %add3A, %mul3A_1 : i32
    %run_scoped3A = arith.constant 0 : i32
    "tpu.region"() ({
      %run_scoped3A_19 = tpu.sem_alloc : memref<!tpu.dma_semaphore, #tpu.memory_space<semaphore_mem>>
      %dma_start3A_20 = arith.constant 0 : i32
      %dma_start3A_21 = arith.constant 0 : i32
      %dma_start3A_22 = tpu.memref_slice %arg3[%run_scoped3A, %dma_start3A_20, %dma_start3A_21] : memref<2x2560x128xi32, #tpu.memory_space<hbm>> -> memref<1x2560x128xi32, #tpu.memory_space<hbm>>
      %dma_start3A_23 = tpu.memref_squeeze %dma_start3A_22 : memref<1x2560x128xi32, #tpu.memory_space<hbm>> -> memref<2560x128xi32, #tpu.memory_space<hbm>>
      %dma_start3A_24 = arith.constant 0 : i32
      %dma_start3A_25 = tpu.memref_slice %dma_start3A_23[%mul3A_2, %dma_start3A_24] : memref<2560x128xi32, #tpu.memory_space<hbm>> -> memref<80x128xi32, #tpu.memory_space<hbm>>
      %dma_start3A_26 = arith.constant 0 : i32
      %dma_start3A_27 = arith.constant 0 : i32
      %dma_start3A_28 = tpu.memref_slice %arg3[%run_scoped3A, %dma_start3A_26, %dma_start3A_27] : memref<2x2560x128xi32, #tpu.memory_space<hbm>> -> memref<1x2560x128xi32, #tpu.memory_space<hbm>>
      %dma_start3A_29 = tpu.memref_squeeze %dma_start3A_28 : memref<1x2560x128xi32, #tpu.memory_space<hbm>> -> memref<2560x128xi32, #tpu.memory_space<hbm>>
      %dma_start3A_30 = arith.constant 0 : i32
      %dma_start3A_31 = tpu.memref_slice %dma_start3A_29[%mul3A_2, %dma_start3A_30] : memref<2560x128xi32, #tpu.memory_space<hbm>> -> memref<80x128xi32, #tpu.memory_space<hbm>>
      tpu.enqueue_dma source(%dma_start3A_31 : memref<80x128xi32, #tpu.memory_space<hbm>>) target(%arg8 : memref<80x128xi32, #tpu.memory_space<vmem>>) target_semaphore(%run_scoped3A_19 : memref<!tpu.dma_semaphore, #tpu.memory_space<semaphore_mem>>)
      %dma_wait3A = arith.constant 0 : i32
      %dma_wait3A_32 = arith.constant 0 : i32
      %dma_wait3A_33 = tpu.memref_slice %arg3[%run_scoped3A, %dma_wait3A, %dma_wait3A_32] : memref<2x2560x128xi32, #tpu.memory_space<hbm>> -> memref<1x2560x128xi32, #tpu.memory_space<hbm>>
      %dma_wait3A_34 = tpu.memref_squeeze %dma_wait3A_33 : memref<1x2560x128xi32, #tpu.memory_space<hbm>> -> memref<2560x128xi32, #tpu.memory_space<hbm>>
      %dma_wait3A_35 = arith.constant 0 : i32
      %dma_wait3A_36 = tpu.memref_slice %dma_wait3A_34[%mul3A_2, %dma_wait3A_35] : memref<2560x128xi32, #tpu.memory_space<hbm>> -> memref<80x128xi32, #tpu.memory_space<hbm>>
      %dma_wait3A_37 = arith.constant 0 : i32
      %dma_wait3A_38 = arith.constant 0 : i32
      %dma_wait3A_39 = tpu.memref_slice %arg3[%run_scoped3A, %dma_wait3A_37, %dma_wait3A_38] : memref<2x2560x128xi32, #tpu.memory_space<hbm>> -> memref<1x2560x128xi32, #tpu.memory_space<hbm>>
      %dma_wait3A_40 = tpu.memref_squeeze %dma_wait3A_39 : memref<1x2560x128xi32, #tpu.memory_space<hbm>> -> memref<2560x128xi32, #tpu.memory_space<hbm>>
      %dma_wait3A_41 = arith.constant 0 : i32
      %dma_wait3A_42 = tpu.memref_slice %dma_wait3A_40[%mul3A_2, %dma_wait3A_41] : memref<2560x128xi32, #tpu.memory_space<hbm>> -> memref<80x128xi32, #tpu.memory_space<hbm>>
      tpu.wait_dma2 semaphore(%run_scoped3A_19 : memref<!tpu.dma_semaphore, #tpu.memory_space<semaphore_mem>>) src(%dma_wait3A_42 : memref<80x128xi32, #tpu.memory_space<hbm>>) dst(%arg8 : memref<80x128xi32, #tpu.memory_space<vmem>>)
      tpu.yield
    }) : () -> ()
    %mul3A_3 = arith.constant 80 : i32
    %mul3A_4 = arith.muli %add3A, %mul3A_3 : i32
    %run_scoped3A_5 = arith.constant 1 : i32
    "tpu.region"() ({
      %run_scoped3A_19 = tpu.sem_alloc : memref<!tpu.dma_semaphore, #tpu.memory_space<semaphore_mem>>
      %dma_start3A_20 = arith.constant 0 : i32
      %dma_start3A_21 = arith.constant 0 : i32
      %dma_start3A_22 = tpu.memref_slice %arg3[%run_scoped3A_5, %dma_start3A_20, %dma_start3A_21] : memref<2x2560x128xi32, #tpu.memory_space<hbm>> -> memref<1x2560x128xi32, #tpu.memory_space<hbm>>
      %dma_start3A_23 = tpu.memref_squeeze %dma_start3A_22 : memref<1x2560x128xi32, #tpu.memory_space<hbm>> -> memref<2560x128xi32, #tpu.memory_space<hbm>>
      %dma_start3A_24 = arith.constant 0 : i32
      %dma_start3A_25 = tpu.memref_slice %dma_start3A_23[%mul3A_4, %dma_start3A_24] : memref<2560x128xi32, #tpu.memory_space<hbm>> -> memref<80x128xi32, #tpu.memory_space<hbm>>
      %dma_start3A_26 = arith.constant 0 : i32
      %dma_start3A_27 = arith.constant 0 : i32
      %dma_start3A_28 = tpu.memref_slice %arg3[%run_scoped3A_5, %dma_start3A_26, %dma_start3A_27] : memref<2x2560x128xi32, #tpu.memory_space<hbm>> -> memref<1x2560x128xi32, #tpu.memory_space<hbm>>
      %dma_start3A_29 = tpu.memref_squeeze %dma_start3A_28 : memref<1x2560x128xi32, #tpu.memory_space<hbm>> -> memref<2560x128xi32, #tpu.memory_space<hbm>>
      %dma_start3A_30 = arith.constant 0 : i32
      %dma_start3A_31 = tpu.memref_slice %dma_start3A_29[%mul3A_4, %dma_start3A_30] : memref<2560x128xi32, #tpu.memory_space<hbm>> -> memref<80x128xi32, #tpu.memory_space<hbm>>
      tpu.enqueue_dma source(%dma_start3A_31 : memref<80x128xi32, #tpu.memory_space<hbm>>) target(%arg9 : memref<80x128xi32, #tpu.memory_space<vmem>>) target_semaphore(%run_scoped3A_19 : memref<!tpu.dma_semaphore, #tpu.memory_space<semaphore_mem>>)
      %dma_wait3A = arith.constant 0 : i32
      %dma_wait3A_32 = arith.constant 0 : i32
      %dma_wait3A_33 = tpu.memref_slice %arg3[%run_scoped3A_5, %dma_wait3A, %dma_wait3A_32] : memref<2x2560x128xi32, #tpu.memory_space<hbm>> -> memref<1x2560x128xi32, #tpu.memory_space<hbm>>
      %dma_wait3A_34 = tpu.memref_squeeze %dma_wait3A_33 : memref<1x2560x128xi32, #tpu.memory_space<hbm>> -> memref<2560x128xi32, #tpu.memory_space<hbm>>
      %dma_wait3A_35 = arith.constant 0 : i32
      %dma_wait3A_36 = tpu.memref_slice %dma_wait3A_34[%mul3A_4, %dma_wait3A_35] : memref<2560x128xi32, #tpu.memory_space<hbm>> -> memref<80x128xi32, #tpu.memory_space<hbm>>
      %dma_wait3A_37 = arith.constant 0 : i32
      %dma_wait3A_38 = arith.constant 0 : i32
      %dma_wait3A_39 = tpu.memref_slice %arg3[%run_scoped3A_5, %dma_wait3A_37, %dma_wait3A_38] : memref<2x2560x128xi32, #tpu.memory_space<hbm>> -> memref<1x2560x128xi32, #tpu.memory_space<hbm>>
      %dma_wait3A_40 = tpu.memref_squeeze %dma_wait3A_39 : memref<1x2560x128xi32, #tpu.memory_space<hbm>> -> memref<2560x128xi32, #tpu.memory_space<hbm>>
      %dma_wait3A_41 = arith.constant 0 : i32
      %dma_wait3A_42 = tpu.memref_slice %dma_wait3A_40[%mul3A_4, %dma_wait3A_41] : memref<2560x128xi32, #tpu.memory_space<hbm>> -> memref<80x128xi32, #tpu.memory_space<hbm>>
      tpu.wait_dma2 semaphore(%run_scoped3A_19 : memref<!tpu.dma_semaphore, #tpu.memory_space<semaphore_mem>>) src(%dma_wait3A_42 : memref<80x128xi32, #tpu.memory_space<hbm>>) dst(%arg9 : memref<80x128xi32, #tpu.memory_space<vmem>>)
      tpu.yield
    }) : () -> ()
    %mul3A_6 = arith.constant 640 : i32
    %mul3A_7 = arith.muli %arg1, %mul3A_6 : i32
    "tpu.region"() ({
      %run_scoped3A_19 = tpu.sem_alloc : memref<!tpu.dma_semaphore, #tpu.memory_space<semaphore_mem>>
      %dma_start3A_20 = arith.constant 0 : i32
      %dma_start3A_21 = tpu.memref_slice %arg7[%mul3A_7, %dma_start3A_20] : memref<10240x32xf32, #tpu.memory_space<vmem_shared>> -> memref<640x32xf32, #tpu.memory_space<vmem_shared>>
      %dma_start3A_22 = arith.constant 0 : i32
      %dma_start3A_23 = tpu.memref_slice %arg2[%mul3A_7, %dma_start3A_22] : memref<10240x32xf32, #tpu.memory_space<hbm>> -> memref<640x32xf32, #tpu.memory_space<hbm>>
      tpu.enqueue_dma source(%dma_start3A_23 : memref<640x32xf32, #tpu.memory_space<hbm>>) target(%dma_start3A_21 : memref<640x32xf32, #tpu.memory_space<vmem_shared>>) target_semaphore(%run_scoped3A_19 : memref<!tpu.dma_semaphore, #tpu.memory_space<semaphore_mem>>)
      %dma_wait3A = arith.constant 0 : i32
      %dma_wait3A_24 = tpu.memref_slice %arg7[%mul3A_7, %dma_wait3A] : memref<10240x32xf32, #tpu.memory_space<vmem_shared>> -> memref<640x32xf32, #tpu.memory_space<vmem_shared>>
      %dma_wait3A_25 = arith.constant 0 : i32
      %dma_wait3A_26 = tpu.memref_slice %arg2[%mul3A_7, %dma_wait3A_25] : memref<10240x32xf32, #tpu.memory_space<hbm>> -> memref<640x32xf32, #tpu.memory_space<hbm>>
      tpu.wait_dma2 semaphore(%run_scoped3A_19 : memref<!tpu.dma_semaphore, #tpu.memory_space<semaphore_mem>>) src(%dma_wait3A_26 : memref<640x32xf32, #tpu.memory_space<hbm>>) dst(%dma_wait3A_24 : memref<640x32xf32, #tpu.memory_space<vmem_shared>>)
      tpu.yield
    }) : () -> ()
    "tpu.region"() ({
      %run_scoped3A_19 = tpu.sem_alloc : memref<!tpu.dma_semaphore, #tpu.memory_space<semaphore_mem>>
      %dma_start3A_20 = arith.constant 0 : i32
      %dma_start3A_21 = tpu.memref_slice %arg6[%mul3A_7, %dma_start3A_20] : memref<10240x32xf32, #tpu.memory_space<vmem_shared>> -> memref<640x32xf32, #tpu.memory_space<vmem_shared>>
      tpu.enqueue_dma source(%arg4 : memref<640x32xf32, #tpu.memory_space<hbm>>) target(%dma_start3A_21 : memref<640x32xf32, #tpu.memory_space<vmem_shared>>) target_semaphore(%run_scoped3A_19 : memref<!tpu.dma_semaphore, #tpu.memory_space<semaphore_mem>>)
      %dma_wait3A = arith.constant 0 : i32
      %dma_wait3A_22 = tpu.memref_slice %arg6[%mul3A_7, %dma_wait3A] : memref<10240x32xf32, #tpu.memory_space<vmem_shared>> -> memref<640x32xf32, #tpu.memory_space<vmem_shared>>
      tpu.wait_dma2 semaphore(%run_scoped3A_19 : memref<!tpu.dma_semaphore, #tpu.memory_space<semaphore_mem>>) src(%arg4 : memref<640x32xf32, #tpu.memory_space<hbm>>) dst(%dma_wait3A_22 : memref<640x32xf32, #tpu.memory_space<vmem_shared>>)
      tpu.yield
    }) : () -> ()
    %barrier3A = arith.constant 0 : index
    tpu.barrier barrier_id(%barrier3A)
    %dma_start3A = arith.constant 0 : i32
    %dma_start3A_8 = arith.constant 0 : i32
    %dma_start3A_9 = tpu.memref_slice %arg8[%dma_start3A, %dma_start3A_8] : memref<80x128xi32, #tpu.memory_space<vmem>> -> memref<1x128xi32, #tpu.memory_space<vmem>>
    %dma_start3A_10 = tpu.memref_squeeze %dma_start3A_9 : memref<1x128xi32, #tpu.memory_space<vmem>> -> memref<128xi32, #tpu.memory_space<vmem>>
    %dma_start3A_11 = arith.constant 0 : i32
    %dma_start3A_12 = arith.constant 0 : i32
    %dma_start3A_13 = tpu.memref_slice %arg7[%dma_start3A_11, %dma_start3A_12] : memref<10240x32xf32, #tpu.memory_space<vmem_shared>> -> memref<10240x32xf32, #tpu.memory_space<vmem_shared>>
    tpu.enqueue_indirect_dma source(%dma_start3A_13 : memref<10240x32xf32, #tpu.memory_space<vmem_shared>>) target(%arg10 : memref<128x32xf32, #tpu.memory_space<vmem>>) offsets(%dma_start3A_10 : memref<128xi32, #tpu.memory_space<vmem>>) semaphore(%arg12 : memref<!tpu.dma_semaphore, #tpu.memory_space<semaphore_mem>>)
    %scan3A = arith.constant 0 : i32
    %scan3A_14 = arith.constant 40 : i32
    %scan3A_15 = arith.addi %scan3A, %scan3A_14 : i32
    %scan3A_16 = arith.constant 1 : i32
    scf.for %scan3A_19 = %scan3A to %scan3A_15 step %scan3A_16  : i32 {
      %mul3A_20 = arith.constant 2 : i32
      %mul3A_21 = arith.muli %scan3A_19, %mul3A_20 : i32
      %add3A_22 = arith.constant 0 : i32
      %add3A_23 = arith.addi %add3A_22, %mul3A_21 : i32
      %dma_wait3A = arith.constant 0 : i32
      %dma_wait3A_24 = tpu.memref_slice %arg8[%add3A_23, %dma_wait3A] : memref<80x128xi32, #tpu.memory_space<vmem>> -> memref<1x128xi32, #tpu.memory_space<vmem>>
      %dma_wait3A_25 = tpu.memref_squeeze %dma_wait3A_24 : memref<1x128xi32, #tpu.memory_space<vmem>> -> memref<128xi32, #tpu.memory_space<vmem>>
      %dma_wait3A_26 = arith.constant 0 : i32
      %dma_wait3A_27 = arith.constant 0 : i32
      %dma_wait3A_28 = tpu.memref_slice %arg7[%dma_wait3A_26, %dma_wait3A_27] : memref<10240x32xf32, #tpu.memory_space<vmem_shared>> -> memref<10240x32xf32, #tpu.memory_space<vmem_shared>>
      tpu.wait_indirect_dma semaphore(%arg12 : memref<!tpu.dma_semaphore, #tpu.memory_space<semaphore_mem>>) src(%dma_wait3A_28 : memref<10240x32xf32, #tpu.memory_space<vmem_shared>>) dst(%arg10 : memref<128x32xf32, #tpu.memory_space<vmem>>)
      %add3A_29 = arith.constant 1 : i32
      %add3A_30 = arith.addi %add3A_23, %add3A_29 : i32
      %dma_start3A_31 = arith.constant 0 : i32
      %dma_start3A_32 = tpu.memref_slice %arg8[%add3A_30, %dma_start3A_31] : memref<80x128xi32, #tpu.memory_space<vmem>> -> memref<1x128xi32, #tpu.memory_space<vmem>>
      %dma_start3A_33 = tpu.memref_squeeze %dma_start3A_32 : memref<1x128xi32, #tpu.memory_space<vmem>> -> memref<128xi32, #tpu.memory_space<vmem>>
      %dma_start3A_34 = arith.constant 0 : i32
      %dma_start3A_35 = arith.constant 0 : i32
      %dma_start3A_36 = tpu.memref_slice %arg7[%dma_start3A_34, %dma_start3A_35] : memref<10240x32xf32, #tpu.memory_space<vmem_shared>> -> memref<10240x32xf32, #tpu.memory_space<vmem_shared>>
      tpu.enqueue_indirect_dma source(%dma_start3A_36 : memref<10240x32xf32, #tpu.memory_space<vmem_shared>>) target(%arg11 : memref<128x32xf32, #tpu.memory_space<vmem>>) offsets(%dma_start3A_33 : memref<128xi32, #tpu.memory_space<vmem>>) semaphore(%arg13 : memref<!tpu.dma_semaphore, #tpu.memory_space<semaphore_mem>>)
      "tpu.region"() ({
        %run_scoped3A_51 = tpu.sem_alloc : memref<!tpu.dma_semaphore, #tpu.memory_space<semaphore_mem>>
        %dma_start3A_52 = arith.constant 0 : i32
        %dma_start3A_53 = tpu.memref_slice %arg9[%add3A_23, %dma_start3A_52] : memref<80x128xi32, #tpu.memory_space<vmem>> -> memref<1x128xi32, #tpu.memory_space<vmem>>
        %dma_start3A_54 = tpu.memref_squeeze %dma_start3A_53 : memref<1x128xi32, #tpu.memory_space<vmem>> -> memref<128xi32, #tpu.memory_space<vmem>>
        %dma_start3A_55 = arith.constant 0 : i32
        %dma_start3A_56 = arith.constant 0 : i32
        %dma_start3A_57 = tpu.memref_slice %arg6[%dma_start3A_55, %dma_start3A_56] : memref<10240x32xf32, #tpu.memory_space<vmem_shared>> -> memref<10240x32xf32, #tpu.memory_space<vmem_shared>>
        tpu.enqueue_indirect_dma source(%arg10 : memref<128x32xf32, #tpu.memory_space<vmem>>) target(%dma_start3A_57 : memref<10240x32xf32, #tpu.memory_space<vmem_shared>>) offsets(%dma_start3A_54 : memref<128xi32, #tpu.memory_space<vmem>>) semaphore(%run_scoped3A_51 : memref<!tpu.dma_semaphore, #tpu.memory_space<semaphore_mem>>) {add = true}
        %dma_wait3A_58 = arith.constant 0 : i32
        %dma_wait3A_59 = tpu.memref_slice %arg9[%add3A_23, %dma_wait3A_58] : memref<80x128xi32, #tpu.memory_space<vmem>> -> memref<1x128xi32, #tpu.memory_space<vmem>>
        %dma_wait3A_60 = tpu.memref_squeeze %dma_wait3A_59 : memref<1x128xi32, #tpu.memory_space<vmem>> -> memref<128xi32, #tpu.memory_space<vmem>>
        %dma_wait3A_61 = arith.constant 0 : i32
        %dma_wait3A_62 = arith.constant 0 : i32
        %dma_wait3A_63 = tpu.memref_slice %arg6[%dma_wait3A_61, %dma_wait3A_62] : memref<10240x32xf32, #tpu.memory_space<vmem_shared>> -> memref<10240x32xf32, #tpu.memory_space<vmem_shared>>
        tpu.wait_indirect_dma semaphore(%run_scoped3A_51 : memref<!tpu.dma_semaphore, #tpu.memory_space<semaphore_mem>>) src(%arg10 : memref<128x32xf32, #tpu.memory_space<vmem>>) dst(%dma_wait3A_63 : memref<10240x32xf32, #tpu.memory_space<vmem_shared>>)
        tpu.yield
      }) : () -> ()
      %add3A_37 = arith.constant 1 : i32
      %add3A_38 = arith.addi %add3A_23, %add3A_37 : i32
      %dma_wait3A_39 = arith.constant 0 : i32
      %dma_wait3A_40 = tpu.memref_slice %arg8[%add3A_38, %dma_wait3A_39] : memref<80x128xi32, #tpu.memory_space<vmem>> -> memref<1x128xi32, #tpu.memory_space<vmem>>
      %dma_wait3A_41 = tpu.memref_squeeze %dma_wait3A_40 : memref<1x128xi32, #tpu.memory_space<vmem>> -> memref<128xi32, #tpu.memory_space<vmem>>
      %dma_wait3A_42 = arith.constant 0 : i32
      %dma_wait3A_43 = arith.constant 0 : i32
      %dma_wait3A_44 = tpu.memref_slice %arg7[%dma_wait3A_42, %dma_wait3A_43] : memref<10240x32xf32, #tpu.memory_space<vmem_shared>> -> memref<10240x32xf32, #tpu.memory_space<vmem_shared>>
      tpu.wait_indirect_dma semaphore(%arg13 : memref<!tpu.dma_semaphore, #tpu.memory_space<semaphore_mem>>) src(%dma_wait3A_44 : memref<10240x32xf32, #tpu.memory_space<vmem_shared>>) dst(%arg11 : memref<128x32xf32, #tpu.memory_space<vmem>>)
      %add3A_45 = arith.constant 2 : i32
      %add3A_46 = arith.addi %add3A_23, %add3A_45 : i32
      %lt3A = arith.constant 80 : i32
      %lt3A_47 = arith.cmpi slt, %add3A_46, %lt3A : i32
      %convert_element_type3A = arith.extui %lt3A_47 : i1 to i32
      %cond3A = arith.constant 0 : i32
      %cond3A_48 = arith.cmpi ne, %convert_element_type3A, %cond3A : i32
      scf.if %cond3A_48 {
        %add3A_51 = arith.constant 2 : i32
        %add3A_52 = arith.addi %add3A_23, %add3A_51 : i32
        %dma_start3A_53 = arith.constant 0 : i32
        %dma_start3A_54 = tpu.memref_slice %arg8[%add3A_52, %dma_start3A_53] : memref<80x128xi32, #tpu.memory_space<vmem>> -> memref<1x128xi32, #tpu.memory_space<vmem>>
        %dma_start3A_55 = tpu.memref_squeeze %dma_start3A_54 : memref<1x128xi32, #tpu.memory_space<vmem>> -> memref<128xi32, #tpu.memory_space<vmem>>
        %dma_start3A_56 = arith.constant 0 : i32
        %dma_start3A_57 = arith.constant 0 : i32
        %dma_start3A_58 = tpu.memref_slice %arg7[%dma_start3A_56, %dma_start3A_57] : memref<10240x32xf32, #tpu.memory_space<vmem_shared>> -> memref<10240x32xf32, #tpu.memory_space<vmem_shared>>
        tpu.enqueue_indirect_dma source(%dma_start3A_58 : memref<10240x32xf32, #tpu.memory_space<vmem_shared>>) target(%arg10 : memref<128x32xf32, #tpu.memory_space<vmem>>) offsets(%dma_start3A_55 : memref<128xi32, #tpu.memory_space<vmem>>) semaphore(%arg12 : memref<!tpu.dma_semaphore, #tpu.memory_space<semaphore_mem>>)
      } else {
      }
      %add3A_49 = arith.constant 1 : i32
      %add3A_50 = arith.addi %add3A_23, %add3A_49 : i32
      "tpu.region"() ({
        %run_scoped3A_51 = tpu.sem_alloc : memref<!tpu.dma_semaphore, #tpu.memory_space<semaphore_mem>>
        %dma_start3A_52 = arith.constant 0 : i32
        %dma_start3A_53 = tpu.memref_slice %arg9[%add3A_50, %dma_start3A_52] : memref<80x128xi32, #tpu.memory_space<vmem>> -> memref<1x128xi32, #tpu.memory_space<vmem>>
        %dma_start3A_54 = tpu.memref_squeeze %dma_start3A_53 : memref<1x128xi32, #tpu.memory_space<vmem>> -> memref<128xi32, #tpu.memory_space<vmem>>
        %dma_start3A_55 = arith.constant 0 : i32
        %dma_start3A_56 = arith.constant 0 : i32
        %dma_start3A_57 = tpu.memref_slice %arg6[%dma_start3A_55, %dma_start3A_56] : memref<10240x32xf32, #tpu.memory_space<vmem_shared>> -> memref<10240x32xf32, #tpu.memory_space<vmem_shared>>
        tpu.enqueue_indirect_dma source(%arg11 : memref<128x32xf32, #tpu.memory_space<vmem>>) target(%dma_start3A_57 : memref<10240x32xf32, #tpu.memory_space<vmem_shared>>) offsets(%dma_start3A_54 : memref<128xi32, #tpu.memory_space<vmem>>) semaphore(%run_scoped3A_51 : memref<!tpu.dma_semaphore, #tpu.memory_space<semaphore_mem>>) {add = true}
        %dma_wait3A_58 = arith.constant 0 : i32
        %dma_wait3A_59 = tpu.memref_slice %arg9[%add3A_50, %dma_wait3A_58] : memref<80x128xi32, #tpu.memory_space<vmem>> -> memref<1x128xi32, #tpu.memory_space<vmem>>
        %dma_wait3A_60 = tpu.memref_squeeze %dma_wait3A_59 : memref<1x128xi32, #tpu.memory_space<vmem>> -> memref<128xi32, #tpu.memory_space<vmem>>
        %dma_wait3A_61 = arith.constant 0 : i32
        %dma_wait3A_62 = arith.constant 0 : i32
        %dma_wait3A_63 = tpu.memref_slice %arg6[%dma_wait3A_61, %dma_wait3A_62] : memref<10240x32xf32, #tpu.memory_space<vmem_shared>> -> memref<10240x32xf32, #tpu.memory_space<vmem_shared>>
        tpu.wait_indirect_dma semaphore(%run_scoped3A_51 : memref<!tpu.dma_semaphore, #tpu.memory_space<semaphore_mem>>) src(%arg11 : memref<128x32xf32, #tpu.memory_space<vmem>>) dst(%dma_wait3A_63 : memref<10240x32xf32, #tpu.memory_space<vmem_shared>>)
        tpu.yield
      }) : () -> ()
    }
    %scan3A_17 = arith.constant 40 : i32
    %barrier3A_18 = arith.constant 0 : index
    tpu.barrier barrier_id(%barrier3A_18)
    "tpu.region"() ({
      %run_scoped3A_19 = tpu.sem_alloc : memref<!tpu.dma_semaphore, #tpu.memory_space<semaphore_mem>>
      %dma_start3A_20 = arith.constant 0 : i32
      %dma_start3A_21 = arith.constant 0 : i32
      %dma_start3A_22 = tpu.memref_slice %arg5[%arg0, %dma_start3A_20, %dma_start3A_21] : memref<2x10240x32xf32, #tpu.memory_space<hbm>> -> memref<1x10240x32xf32, #tpu.memory_space<hbm>>
      %dma_start3A_23 = tpu.memref_squeeze %dma_start3A_22 : memref<1x10240x32xf32, #tpu.memory_space<hbm>> -> memref<10240x32xf32, #tpu.memory_space<hbm>>
      %dma_start3A_24 = arith.constant 0 : i32
      %dma_start3A_25 = tpu.memref_slice %dma_start3A_23[%mul3A_7, %dma_start3A_24] : memref<10240x32xf32, #tpu.memory_space<hbm>> -> memref<640x32xf32, #tpu.memory_space<hbm>>
      %dma_start3A_26 = arith.constant 0 : i32
      %dma_start3A_27 = tpu.memref_slice %arg6[%mul3A_7, %dma_start3A_26] : memref<10240x32xf32, #tpu.memory_space<vmem_shared>> -> memref<640x32xf32, #tpu.memory_space<vmem_shared>>
      tpu.enqueue_dma source(%dma_start3A_27 : memref<640x32xf32, #tpu.memory_space<vmem_shared>>) target(%dma_start3A_25 : memref<640x32xf32, #tpu.memory_space<hbm>>) target_semaphore(%run_scoped3A_19 : memref<!tpu.dma_semaphore, #tpu.memory_space<semaphore_mem>>)
      %dma_wait3A = arith.constant 0 : i32
      %dma_wait3A_28 = arith.constant 0 : i32
      %dma_wait3A_29 = tpu.memref_slice %arg5[%arg0, %dma_wait3A, %dma_wait3A_28] : memref<2x10240x32xf32, #tpu.memory_space<hbm>> -> memref<1x10240x32xf32, #tpu.memory_space<hbm>>
      %dma_wait3A_30 = tpu.memref_squeeze %dma_wait3A_29 : memref<1x10240x32xf32, #tpu.memory_space<hbm>> -> memref<10240x32xf32, #tpu.memory_space<hbm>>
      %dma_wait3A_31 = arith.constant 0 : i32
      %dma_wait3A_32 = tpu.memref_slice %dma_wait3A_30[%mul3A_7, %dma_wait3A_31] : memref<10240x32xf32, #tpu.memory_space<hbm>> -> memref<640x32xf32, #tpu.memory_space<hbm>>
      %dma_wait3A_33 = arith.constant 0 : i32
      %dma_wait3A_34 = tpu.memref_slice %arg6[%mul3A_7, %dma_wait3A_33] : memref<10240x32xf32, #tpu.memory_space<vmem_shared>> -> memref<640x32xf32, #tpu.memory_space<vmem_shared>>
      tpu.wait_dma2 semaphore(%run_scoped3A_19 : memref<!tpu.dma_semaphore, #tpu.memory_space<semaphore_mem>>) src(%dma_wait3A_34 : memref<640x32xf32, #tpu.memory_space<vmem_shared>>) dst(%dma_wait3A_32 : memref<640x32xf32, #tpu.memory_space<hbm>>)
      tpu.yield
    }) : () -> ()
    return
  }
}

module attributes {stable_mosaic.version = 14 : i64} {
  func.func @_mm_body(%arg0: i32, %arg1: memref<5120x128xf32, #tpu.memory_space<vmem>>, %arg2: memref<128x32xf32, #tpu.memory_space<vmem>>, %arg3: memref<5120x32xf32, #tpu.memory_space<vmem>>) attributes {dimension_semantics = [#tpu.dimension_semantics<arbitrary>], iteration_bounds = array<i64: 2>, scalar_prefetch = 0 : i64, scratch_operands = 0 : i64, tpu.core_type = #tpu.core_type<tc>, window_params = [{transform_indices = @transform_0, window_bounds = array<i64: 5120, 128>}, {pipeline_mode = #tpu.pipeline_mode<synchronous>, transform_indices = @transform_1, window_bounds = array<i64: 128, 32>}, {transform_indices = @transform_2, window_bounds = array<i64: 5120, 32>}]} {
    %get3A = arith.constant 0 : index
    %get3A_0 = arith.constant 0 : index
    %get3A_1 = vector.load %arg1[%get3A, %get3A_0] : memref<5120x128xf32, #tpu.memory_space<vmem>>, vector<5120x128xf32>
    %get3A_2 = arith.constant 0 : index
    %get3A_3 = arith.constant 0 : index
    %get3A_4 = vector.load %arg2[%get3A_2, %get3A_3] : memref<128x32xf32, #tpu.memory_space<vmem>>, vector<128x32xf32>
    %dot_general3A = arith.constant dense<0.000000e+00> : vector<5120x32xf32>
    %dot_general3A_5 = tpu.matmul %get3A_1, %get3A_4, %dot_general3A {dimension_numbers = #tpu.dot_dimension_numbers<[1], [0], [0], [1], [0, 0, 1, 1], [], []>, transpose_lhs_hint = false} : vector<5120x128xf32>, vector<128x32xf32>, vector<5120x32xf32> -> vector<5120x32xf32>
    %swap3A = arith.constant 0 : index
    %swap3A_6 = arith.constant 0 : index
    %swap3A_7 = vector.load %arg3[%swap3A, %swap3A_6] : memref<5120x32xf32, #tpu.memory_space<vmem>>, vector<5120x32xf32>
    tpu.vector_store %arg3[%swap3A, %swap3A_6], %dot_general3A_5 {strides = array<i32>} : memref<5120x32xf32, #tpu.memory_space<vmem>>, vector<5120x32xf32>,
    return
  }
  func.func @transform_0(%arg0: i32) -> (i32, i32) {
    %c0_i32 = arith.constant 0 : i32
    %c0_i32_0 = arith.constant 0 : i32
    return %arg0, %c0_i32 : i32, i32
  }
  func.func @transform_1(%arg0: i32) -> (i32, i32) {
    %c0_i32 = arith.constant 0 : i32
    %c0_i32_0 = arith.constant 0 : i32
    %c0_i32_1 = arith.constant 0 : i32
    return %c0_i32, %c0_i32_0 : i32, i32
  }
  func.func @transform_2(%arg0: i32) -> (i32, i32) {
    %c0_i32 = arith.constant 0 : i32
    %c0_i32_0 = arith.constant 0 : i32
    return %arg0, %c0_i32 : i32, i32
  }
}

module attributes {stable_mosaic.version = 14 : i64} {
  func.func @_prescale_body(%arg0: i32, %arg1: memref<2x5120x8xf32, #tpu.memory_space<vmem>>, %arg2: memref<5120x32xf32, #tpu.memory_space<vmem>>, %arg3: memref<5120x32xf32, #tpu.memory_space<vmem>>, %arg4: memref<5120x1xf32, #tpu.memory_space<vmem>>) attributes {dimension_semantics = [#tpu.dimension_semantics<arbitrary>], iteration_bounds = array<i64: 2>, scalar_prefetch = 0 : i64, scratch_operands = 0 : i64, tpu.core_type = #tpu.core_type<tc>, window_params = [{transform_indices = @transform_0, window_bounds = array<i64: 2, 5120, 8>}, {transform_indices = @transform_1, window_bounds = array<i64: 5120, 32>}, {transform_indices = @transform_2, window_bounds = array<i64: 5120, 32>}, {transform_indices = @transform_3, window_bounds = array<i64: 5120, 1>}]} {
    %get3A = arith.constant 0 : index
    %get3A_0 = arith.constant 0 : index
    %get3A_1 = arith.constant 0 : index
    %get3A_2 = vector.load %arg1[%get3A, %get3A_0, %get3A_1] : memref<2x5120x8xf32, #tpu.memory_space<vmem>>, vector<1x5120x1xf32>
    %get3A_3 = vector.shape_cast %get3A_2 : vector<1x5120x1xf32> to vector<5120x1xf32>
    %get3A_4 = arith.constant 1 : index
    %get3A_5 = arith.constant 0 : index
    %get3A_6 = arith.constant 0 : index
    %get3A_7 = vector.load %arg1[%get3A_4, %get3A_5, %get3A_6] : memref<2x5120x8xf32, #tpu.memory_space<vmem>>, vector<1x5120x1xf32>
    %get3A_8 = vector.shape_cast %get3A_7 : vector<1x5120x1xf32> to vector<5120x1xf32>
    %add3A = arith.addf %get3A_3, %get3A_8 : vector<5120x1xf32>
    %add3A_9 = arith.constant 1.000000e+00 : f32
    %add3A_10 = vector.broadcast %add3A_9 : f32 to vector<5120x1xf32>
    %add3A_11 = arith.addf %add3A, %add3A_10 : vector<5120x1xf32>
    %rsqrt3A = math.rsqrt %add3A_11 : vector<5120x1xf32>
    %swap3A = arith.constant 0 : index
    %swap3A_12 = arith.constant 0 : index
    %swap3A_13 = vector.load %arg4[%swap3A, %swap3A_12] : memref<5120x1xf32, #tpu.memory_space<vmem>>, vector<5120x1xf32>
    tpu.vector_store %arg4[%swap3A, %swap3A_12], %rsqrt3A {strides = array<i32>} : memref<5120x1xf32, #tpu.memory_space<vmem>>, vector<5120x1xf32>,
    %get3A_14 = arith.constant 0 : index
    %get3A_15 = arith.constant 0 : index
    %get3A_16 = vector.load %arg2[%get3A_14, %get3A_15] : memref<5120x32xf32, #tpu.memory_space<vmem>>, vector<5120x32xf32>
    %mul3A = vector.broadcast %rsqrt3A : vector<5120x1xf32> to vector<5120x32xf32>
    %mul3A_17 = arith.mulf %get3A_16, %mul3A : vector<5120x32xf32>
    %swap3A_18 = arith.constant 0 : index
    %swap3A_19 = arith.constant 0 : index
    %swap3A_20 = vector.load %arg3[%swap3A_18, %swap3A_19] : memref<5120x32xf32, #tpu.memory_space<vmem>>, vector<5120x32xf32>
    tpu.vector_store %arg3[%swap3A_18, %swap3A_19], %mul3A_17 {strides = array<i32>} : memref<5120x32xf32, #tpu.memory_space<vmem>>, vector<5120x32xf32>,
    return
  }
  func.func @transform_0(%arg0: i32) -> (i32, i32, i32) {
    %c0_i32 = arith.constant 0 : i32
    %c0_i32_0 = arith.constant 0 : i32
    %c0_i32_1 = arith.constant 0 : i32
    return %c0_i32, %arg0, %c0_i32_0 : i32, i32, i32
  }
  func.func @transform_1(%arg0: i32) -> (i32, i32) {
    %c0_i32 = arith.constant 0 : i32
    %c0_i32_0 = arith.constant 0 : i32
    return %arg0, %c0_i32 : i32, i32
  }
  func.func @transform_2(%arg0: i32) -> (i32, i32) {
    %c0_i32 = arith.constant 0 : i32
    %c0_i32_0 = arith.constant 0 : i32
    return %arg0, %c0_i32 : i32, i32
  }
  func.func @transform_3(%arg0: i32) -> (i32, i32) {
    %c0_i32 = arith.constant 0 : i32
    %c0_i32_0 = arith.constant 0 : i32
    return %arg0, %c0_i32 : i32, i32
  }
}

module attributes {stable_mosaic.version = 14 : i64} {
  func.func @_mid_body(%arg0: i32, %arg1: memref<2x5120x32xf32, #tpu.memory_space<vmem>>, %arg2: memref<5120x32xf32, #tpu.memory_space<vmem>>, %arg3: memref<5120x1xf32, #tpu.memory_space<vmem>>, %arg4: memref<1x32xf32, #tpu.memory_space<vmem>>, %arg5: memref<32x32xf32, #tpu.memory_space<vmem>>, %arg6: memref<5120x32xf32, #tpu.memory_space<vmem>>) attributes {dimension_semantics = [#tpu.dimension_semantics<arbitrary>], iteration_bounds = array<i64: 2>, scalar_prefetch = 0 : i64, scratch_operands = 0 : i64, tpu.core_type = #tpu.core_type<tc>, window_params = [{transform_indices = @transform_0, window_bounds = array<i64: 2, 5120, 32>}, {transform_indices = @transform_1, window_bounds = array<i64: 5120, 32>}, {transform_indices = @transform_2, window_bounds = array<i64: 5120, 1>}, {pipeline_mode = #tpu.pipeline_mode<synchronous>, transform_indices = @transform_3, window_bounds = array<i64: 1, 32>}, {pipeline_mode = #tpu.pipeline_mode<synchronous>, transform_indices = @transform_4, window_bounds = array<i64: 32, 32>}, {transform_indices = @transform_5, window_bounds = array<i64: 5120, 32>}]} {
    %get3A = arith.constant 0 : index
    %get3A_0 = arith.constant 0 : index
    %get3A_1 = vector.load %arg3[%get3A, %get3A_0] : memref<5120x1xf32, #tpu.memory_space<vmem>>, vector<5120x1xf32>
    %get3A_2 = arith.constant 0 : index
    %get3A_3 = arith.constant 0 : index
    %get3A_4 = arith.constant 0 : index
    %get3A_5 = vector.load %arg1[%get3A_2, %get3A_3, %get3A_4] : memref<2x5120x32xf32, #tpu.memory_space<vmem>>, vector<1x5120x32xf32>
    %get3A_6 = vector.shape_cast %get3A_5 : vector<1x5120x32xf32> to vector<5120x32xf32>
    %get3A_7 = arith.constant 1 : index
    %get3A_8 = arith.constant 0 : index
    %get3A_9 = arith.constant 0 : index
    %get3A_10 = vector.load %arg1[%get3A_7, %get3A_8, %get3A_9] : memref<2x5120x32xf32, #tpu.memory_space<vmem>>, vector<1x5120x32xf32>
    %get3A_11 = vector.shape_cast %get3A_10 : vector<1x5120x32xf32> to vector<5120x32xf32>
    %add3A = arith.addf %get3A_6, %get3A_11 : vector<5120x32xf32>
    %get3A_12 = arith.constant 0 : index
    %get3A_13 = arith.constant 0 : index
    %get3A_14 = vector.load %arg2[%get3A_12, %get3A_13] : memref<5120x32xf32, #tpu.memory_space<vmem>>, vector<5120x32xf32>
    %add3A_15 = arith.addf %add3A, %get3A_14 : vector<5120x32xf32>
    %mul3A = vector.broadcast %get3A_1 : vector<5120x1xf32> to vector<5120x32xf32>
    %mul3A_16 = arith.mulf %add3A_15, %mul3A : vector<5120x32xf32>
    %get3A_17 = arith.constant 0 : index
    %get3A_18 = arith.constant 0 : index
    %get3A_19 = vector.load %arg4[%get3A_17, %get3A_18] : memref<1x32xf32, #tpu.memory_space<vmem>>, vector<1x32xf32>
    %add3A_20 = vector.broadcast %get3A_19 : vector<1x32xf32> to vector<5120x32xf32>
    %add3A_21 = arith.addf %mul3A_16, %add3A_20 : vector<5120x32xf32>
    %max3A = arith.constant 0.000000e+00 : f32
    %max3A_22 = vector.broadcast %max3A : f32 to vector<5120x32xf32>
    %max3A_23 = arith.maximumf %add3A_21, %max3A_22 : vector<5120x32xf32>
    %get3A_24 = arith.constant 0 : index
    %get3A_25 = arith.constant 0 : index
    %get3A_26 = vector.load %arg5[%get3A_24, %get3A_25] : memref<32x32xf32, #tpu.memory_space<vmem>>, vector<32x32xf32>
    %dot_general3A = arith.constant dense<0.000000e+00> : vector<5120x32xf32>
    %dot_general3A_27 = tpu.matmul %max3A_23, %get3A_26, %dot_general3A {dimension_numbers = #tpu.dot_dimension_numbers<[1], [0], [0], [1], [0, 0, 1, 1], [], []>, transpose_lhs_hint = false} : vector<5120x32xf32>, vector<32x32xf32>, vector<5120x32xf32> -> vector<5120x32xf32>
    %mul3A_28 = vector.broadcast %get3A_1 : vector<5120x1xf32> to vector<5120x32xf32>
    %mul3A_29 = arith.mulf %dot_general3A_27, %mul3A_28 : vector<5120x32xf32>
    %swap3A = arith.constant 0 : index
    %swap3A_30 = arith.constant 0 : index
    %swap3A_31 = vector.load %arg6[%swap3A, %swap3A_30] : memref<5120x32xf32, #tpu.memory_space<vmem>>, vector<5120x32xf32>
    tpu.vector_store %arg6[%swap3A, %swap3A_30], %mul3A_29 {strides = array<i32>} : memref<5120x32xf32, #tpu.memory_space<vmem>>, vector<5120x32xf32>,
    return
  }
  func.func @transform_0(%arg0: i32) -> (i32, i32, i32) {
    %c0_i32 = arith.constant 0 : i32
    %c0_i32_0 = arith.constant 0 : i32
    %c0_i32_1 = arith.constant 0 : i32
    return %c0_i32, %arg0, %c0_i32_0 : i32, i32, i32
  }
  func.func @transform_1(%arg0: i32) -> (i32, i32) {
    %c0_i32 = arith.constant 0 : i32
    %c0_i32_0 = arith.constant 0 : i32
    return %arg0, %c0_i32 : i32, i32
  }
  func.func @transform_2(%arg0: i32) -> (i32, i32) {
    %c0_i32 = arith.constant 0 : i32
    %c0_i32_0 = arith.constant 0 : i32
    return %arg0, %c0_i32 : i32, i32
  }
  func.func @transform_3(%arg0: i32) -> (i32, i32) {
    %c0_i32 = arith.constant 0 : i32
    %c0_i32_0 = arith.constant 0 : i32
    %c0_i32_1 = arith.constant 0 : i32
    return %c0_i32, %c0_i32_0 : i32, i32
  }
  func.func @transform_4(%arg0: i32) -> (i32, i32) {
    %c0_i32 = arith.constant 0 : i32
    %c0_i32_0 = arith.constant 0 : i32
    %c0_i32_1 = arith.constant 0 : i32
    return %c0_i32, %c0_i32_0 : i32, i32
  }
  func.func @transform_5(%arg0: i32) -> (i32, i32) {
    %c0_i32 = arith.constant 0 : i32
    %c0_i32_0 = arith.constant 0 : i32
    return %arg0, %c0_i32 : i32, i32
  }
}

module attributes {stable_mosaic.version = 14 : i64} {
  func.func @_fin_body(%arg0: i32, %arg1: memref<2x5120x32xf32, #tpu.memory_space<vmem>>, %arg2: memref<5120x32xf32, #tpu.memory_space<vmem>>, %arg3: memref<5120x1xf32, #tpu.memory_space<vmem>>, %arg4: memref<1x32xf32, #tpu.memory_space<vmem>>, %arg5: memref<32x1xf32, #tpu.memory_space<vmem>>, %arg6: memref<1x1xf32, #tpu.memory_space<vmem>>, %arg7: memref<5120x1xf32, #tpu.memory_space<vmem>>) attributes {dimension_semantics = [#tpu.dimension_semantics<arbitrary>], iteration_bounds = array<i64: 2>, scalar_prefetch = 0 : i64, scratch_operands = 0 : i64, tpu.core_type = #tpu.core_type<tc>, window_params = [{transform_indices = @transform_0, window_bounds = array<i64: 2, 5120, 32>}, {transform_indices = @transform_1, window_bounds = array<i64: 5120, 32>}, {transform_indices = @transform_2, window_bounds = array<i64: 5120, 1>}, {pipeline_mode = #tpu.pipeline_mode<synchronous>, transform_indices = @transform_3, window_bounds = array<i64: 1, 32>}, {pipeline_mode = #tpu.pipeline_mode<synchronous>, transform_indices = @transform_4, window_bounds = array<i64: 32, 1>}, {pipeline_mode = #tpu.pipeline_mode<synchronous>, transform_indices = @transform_5, window_bounds = array<i64: 1, 1>}, {transform_indices = @transform_6, window_bounds = array<i64: 5120, 1>}]} {
    %get3A = arith.constant 0 : index
    %get3A_0 = arith.constant 0 : index
    %get3A_1 = arith.constant 0 : index
    %get3A_2 = vector.load %arg1[%get3A, %get3A_0, %get3A_1] : memref<2x5120x32xf32, #tpu.memory_space<vmem>>, vector<1x5120x32xf32>
    %get3A_3 = vector.shape_cast %get3A_2 : vector<1x5120x32xf32> to vector<5120x32xf32>
    %get3A_4 = arith.constant 1 : index
    %get3A_5 = arith.constant 0 : index
    %get3A_6 = arith.constant 0 : index
    %get3A_7 = vector.load %arg1[%get3A_4, %get3A_5, %get3A_6] : memref<2x5120x32xf32, #tpu.memory_space<vmem>>, vector<1x5120x32xf32>
    %get3A_8 = vector.shape_cast %get3A_7 : vector<1x5120x32xf32> to vector<5120x32xf32>
    %add3A = arith.addf %get3A_3, %get3A_8 : vector<5120x32xf32>
    %get3A_9 = arith.constant 0 : index
    %get3A_10 = arith.constant 0 : index
    %get3A_11 = vector.load %arg2[%get3A_9, %get3A_10] : memref<5120x32xf32, #tpu.memory_space<vmem>>, vector<5120x32xf32>
    %add3A_12 = arith.addf %add3A, %get3A_11 : vector<5120x32xf32>
    %get3A_13 = arith.constant 0 : index
    %get3A_14 = arith.constant 0 : index
    %get3A_15 = vector.load %arg3[%get3A_13, %get3A_14] : memref<5120x1xf32, #tpu.memory_space<vmem>>, vector<5120x1xf32>
    %mul3A = vector.broadcast %get3A_15 : vector<5120x1xf32> to vector<5120x32xf32>
    %mul3A_16 = arith.mulf %add3A_12, %mul3A : vector<5120x32xf32>
    %get3A_17 = arith.constant 0 : index
    %get3A_18 = arith.constant 0 : index
    %get3A_19 = vector.load %arg4[%get3A_17, %get3A_18] : memref<1x32xf32, #tpu.memory_space<vmem>>, vector<1x32xf32>
    %add3A_20 = vector.broadcast %get3A_19 : vector<1x32xf32> to vector<5120x32xf32>
    %add3A_21 = arith.addf %mul3A_16, %add3A_20 : vector<5120x32xf32>
    %max3A = arith.constant 0.000000e+00 : f32
    %max3A_22 = vector.broadcast %max3A : f32 to vector<5120x32xf32>
    %max3A_23 = arith.maximumf %add3A_21, %max3A_22 : vector<5120x32xf32>
    %get3A_24 = arith.constant 0 : index
    %get3A_25 = arith.constant 0 : index
    %get3A_26 = vector.load %arg5[%get3A_24, %get3A_25] : memref<32x1xf32, #tpu.memory_space<vmem>>, vector<32x1xf32>
    %dot_general3A = arith.constant dense<0.000000e+00> : vector<5120x1xf32>
    %dot_general3A_27 = tpu.matmul %max3A_23, %get3A_26, %dot_general3A {dimension_numbers = #tpu.dot_dimension_numbers<[1], [0], [0], [1], [0, 0, 1, 1], [], []>, transpose_lhs_hint = false} : vector<5120x32xf32>, vector<32x1xf32>, vector<5120x1xf32> -> vector<5120x1xf32>
    %get3A_28 = arith.constant 0 : index
    %get3A_29 = arith.constant 0 : index
    %get3A_30 = vector.load %arg6[%get3A_28, %get3A_29] : memref<1x1xf32, #tpu.memory_space<vmem>>, vector<1x1xf32>
    %add3A_31 = vector.broadcast %get3A_30 : vector<1x1xf32> to vector<5120x1xf32>
    %add3A_32 = arith.addf %dot_general3A_27, %add3A_31 : vector<5120x1xf32>
    %swap3A = arith.constant 0 : index
    %swap3A_33 = arith.constant 0 : index
    %swap3A_34 = vector.load %arg7[%swap3A, %swap3A_33] : memref<5120x1xf32, #tpu.memory_space<vmem>>, vector<5120x1xf32>
    tpu.vector_store %arg7[%swap3A, %swap3A_33], %add3A_32 {strides = array<i32>} : memref<5120x1xf32, #tpu.memory_space<vmem>>, vector<5120x1xf32>,
    return
  }
  func.func @transform_0(%arg0: i32) -> (i32, i32, i32) {
    %c0_i32 = arith.constant 0 : i32
    %c0_i32_0 = arith.constant 0 : i32
    %c0_i32_1 = arith.constant 0 : i32
    return %c0_i32, %arg0, %c0_i32_0 : i32, i32, i32
  }
  func.func @transform_1(%arg0: i32) -> (i32, i32) {
    %c0_i32 = arith.constant 0 : i32
    %c0_i32_0 = arith.constant 0 : i32
    return %arg0, %c0_i32 : i32, i32
  }
  func.func @transform_2(%arg0: i32) -> (i32, i32) {
    %c0_i32 = arith.constant 0 : i32
    %c0_i32_0 = arith.constant 0 : i32
    return %arg0, %c0_i32 : i32, i32
  }
  func.func @transform_3(%arg0: i32) -> (i32, i32) {
    %c0_i32 = arith.constant 0 : i32
    %c0_i32_0 = arith.constant 0 : i32
    %c0_i32_1 = arith.constant 0 : i32
    return %c0_i32, %c0_i32_0 : i32, i32
  }
  func.func @transform_4(%arg0: i32) -> (i32, i32) {
    %c0_i32 = arith.constant 0 : i32
    %c0_i32_0 = arith.constant 0 : i32
    %c0_i32_1 = arith.constant 0 : i32
    return %c0_i32, %c0_i32_0 : i32, i32
  }
  func.func @transform_5(%arg0: i32) -> (i32, i32) {
    %c0_i32 = arith.constant 0 : i32
    %c0_i32_0 = arith.constant 0 : i32
    %c0_i32_1 = arith.constant 0 : i32
    return %c0_i32, %c0_i32_0 : i32, i32
  }
  func.func @transform_6(%arg0: i32) -> (i32, i32) {
    %c0_i32 = arith.constant 0 : i32
    %c0_i32_0 = arith.constant 0 : i32
    return %arg0, %c0_i32 : i32, i32
  }
}

</mosaic_0001>

<sc_bundles>
// kernel: kernel.12.cloned.1.call-start
scs
__scs_entry_jumppad:
0x0: {  	(pc) =	sbr.rel $0x88, $3  }
0x1: {  	(tag) =	ssettag $0x0;
	lr =	simm.s32 $0x1  }
0x2: {  	[smem:$0x3F99] =	sst lr;
	_ =	strace $0xD0000000  }
0x3: {  	_ = 	snop  }
0x4: {  	_ = 	snop  }
0x5: {  	_ = 	snop  }
0x6: {  	_ = 	snop  }
0x7: {  	_ = 	snop  }
__scs_overlays_trampoline_lowered:
0x8: {  	[smem:$0x3FA8] =	sst s0  }
0x9: {  	[smem:$0x3FA9] =	sst s1  }
0xa: {  	[smem:$0x3FAA] =	sst s2  }
0xb: {  	[smem:$0x3FAB] =	sst s3  }
0xc: {  	[smem:$0x3FAC] =	sst s4  }
0xd: {  	[smem:$0x3FAD] =	sst s5  }
0xe: {  	[smem:$0x3FAE] =	sst s6  }
0xf: {  	[smem:$0x3FAF] =	sst s7  }
0x10: {  	[smem:$0x3FB0] =	sst s8  }
0x11: {  	[smem:$0x3FB1] =	sst s9;
	s0 =	simm.s32 @!p0 $0x0  }
0x12: {  	s1 =	sld [smem:$0x3F97];
	s0 =	simm.s32 @p0 $0x1  }
0x13: {  	[smem:$0x3FB2] =	sst s0;
	s0 =	simm.s32 @!p1 $0x0  }
0x14: {  	s2 =	sld [smem:$0x3F96];
	s0 =	simm.s32 @p1 $0x1  }
0x15: {  	[smem:$0x3FB3] =	sst s0;
	s0 =	simm.s32 @!p2 $0x0  }
0x16: {  	s3 =	sld [smem:$0x3FDB];
	s0 =	simm.s32 @p2 $0x1  }
0x17: {  	s4 =	simm.s32 $0x1BF5;
	[smem:$0x3FB5] =	sst s0  }
0x18: {  	s0 =	sld [smem:$0x3F98];
	_ =	swait.ge [sflag:s4], $0x0  }
0x19: {  	s7 =	sld [smem:$0x3F99]  }
0x1a: {  	s8 =	sadd.s32 $0xFFFFE003, lr  }
0x1b: {  	s9 =	sadd.s32 $0xFFFFFEF7, lr;
	s5 =	simm.s32 $0xFFFFFFFF;
	p2 =	slt.u32 s8, $0xFFFFF086  }
0x1c: {  	p1 =	slt.u32 s9, $0xF7A;
	s5 =	simm.s32 @!p2 $0x0  }
0x1d: {  	s5 =	simm.s32 @p1 $0x1;
	p0 =	seq.s32 s7, s2  }
0x1e: {  	s7 =	smul.u32 @!p0 $0xF7A, s2;
	p2 =	seq.s32 @!p0 s5, $0x0  }
0x1f: {  	s9 =	smul.u32 $0xF7A, s1;
	s8 =	simm.s32 @!p0 $0x1BF5;
	p2 =	por !p2, p0  }
0x20: {  	[sflag:s8] =	ssyncset.s32 @!p0 $0xFFFFF086;
	s6 =	sadd.s32 @!p0 s3, s7;
	s7 =	simm.s32 @!p0 $0x108  }
0x21: {  	s3 =	sadd.s32 s3, s9;
	s6 =	sadd.s32 @!p0 $0x88, s6;
	s7 =	simm.s32 @p2 $0x1082  }
0x22: {  	[simem:s7], [sflag:s8] =	dma.local @!p0 [hbm:s6], $0xF7A  }
0x23: {  	s9 =	sor.u32 $0xD0000000, s2;
	s6 =	simm.s32 $0x108;
	_ =	swait.ge @!p0 [sflag:s8], $0x0  }
0x24: {  	s3 =	sadd.s32 $0x88, s3;
	s6 =	simm.s32 @!p1 $0x1082;
	[sflag:s4] =	ssyncset.s32 $0xFFFFF086  }
0x25: {  	[simem:s6], [sflag:s4] =	dma.local [hbm:s3], $0xF7A  }
0x26: {  	[smem:$0x3F99] =	sst s1;
	(tag) =	ssettag s2;
	_ =	strace s9  }
0x27: {  	s1 =	sld [smem:$0x3FA9]  }
0x28: {  	s2 =	sld [smem:$0x3FAA]  }
0x29: {  	s4 =	sld [smem:$0x3FAC]  }
0x2a: {  	p0 =	seq.s32 s5, $0x0;
	s5 =	sld [smem:$0x3FAD]  }
0x2b: {  	s6 =	sld [smem:$0x3FAE]  }
0x2c: {  	s7 =	sld [smem:$0x3FAF]  }
0x2d: {  	s3 =	simm.s32 $0x108;
	s8 =	sld [smem:$0x3FB0]  }
0x2e: {  	s3 =	simm.s32 @!p0 $0x1082;
	s9 =	sld [smem:$0x3FB1]  }
0x2f: {  	lr =	sadd.s32 s0, s3;
	s0 =	sld [smem:$0x3FA8]  }
0x30: {  	s3 =	sld [smem:$0x3FAB]  }
0x31: {  	[smem:$0x3FB4] =	sst s10  }
0x32: {  	s10 =	sld [smem:$0x3FB2];
	_ =	sdelay $0x3  }
0x33: {  	p0 =	seq.s32 s10, $0x1;
	s10 =	sld [smem:$0x3FB4];
	_ =	sdelay $0x3  }
0x34: {  	[smem:$0x3FB4] =	sst s10  }
0x35: {  	s10 =	sld [smem:$0x3FB3];
	_ =	sdelay $0x3  }
0x36: {  	p1 =	seq.s32 s10, $0x1;
	s10 =	sld [smem:$0x3FB4];
	_ =	sdelay $0x3  }
0x37: {  	[smem:$0x3FB4] =	sst s10  }
0x38: {  	s10 =	sld [smem:$0x3FB5]  }
0x39: {  	_ = 	snop;
	(pc) =	sbr.ind lr, $3  }
0x3a: {  	_ = 	snop  }
0x3b: {  	_ = 	snop  }
0x3c: {  	p2 =	seq.s32 s10, $0x1;
	s10 =	sld [smem:$0x3FB4]  }
0x3d: {  	_ =	shalt  }
0x3e: {  	_ =	shalt  }
0x3f: {  	_ =	shalt  }
0x40: {  	_ =	shalt  }
0x41: {  	_ =	shalt  }
0x42: {  	_ =	shalt  }
0x43: {  	_ =	shalt  }
0x44: {  	_ =	shalt  }
0x45: {  	_ =	shalt  }
0x46: {  	_ =	shalt  }
0x47: {  	_ =	shalt  }
0x48: {  	_ =	shalt  }
0x49: {  	_ =	shalt  }
0x4a: {  	_ =	shalt  }
0x4b: {  	_ =	shalt  }
0x4c: {  	_ =	shalt  }
0x4d: {  	_ =	shalt  }
0x4e: {  	_ =	shalt  }
0x4f: {  	_ =	shalt  }
0x50: {  	_ =	shalt  }
0x51: {  	_ =	shalt  }
0x52: {  	_ =	shalt  }
0x53: {  	_ =	shalt  }
0x54: {  	_ =	shalt  }
0x55: {  	_ =	shalt  }
0x56: {  	_ =	shalt  }
0x57: {  	_ =	shalt  }
0x58: {  	_ =	shalt  }
0x59: {  	_ =	shalt  }
0x5a: {  	_ =	shalt  }
0x5b: {  	_ =	shalt  }
0x5c: {  	_ =	shalt  }
0x5d: {  	_ =	shalt  }
0x5e: {  	_ =	shalt  }
0x5f: {  	_ =	shalt  }
0x60: {  	_ =	shalt  }
0x61: {  	_ =	shalt  }
0x62: {  	_ =	shalt  }
0x63: {  	_ =	shalt  }
0x64: {  	_ =	shalt  }
0x65: {  	_ =	shalt  }
0x66: {  	_ =	shalt  }
0x67: {  	_ =	shalt  }
0x68: {  	_ =	shalt  }
0x69: {  	_ =	shalt  }
0x6a: {  	_ =	shalt  }
0x6b: {  	_ =	shalt  }
0x6c: {  	_ =	shalt  }
0x6d: {  	_ =	shalt  }
0x6e: {  	_ =	shalt  }
0x6f: {  	_ =	shalt  }
0x70: {  	_ =	shalt  }
0x71: {  	_ =	shalt  }
0x72: {  	_ =	shalt  }
0x73: {  	_ =	shalt  }
0x74: {  	_ =	shalt  }
0x75: {  	_ =	shalt  }
0x76: {  	_ =	shalt  }
0x77: {  	_ =	shalt  }
0x78: {  	_ =	shalt  }
0x79: {  	_ =	shalt  }
0x7a: {  	_ =	shalt  }
0x7b: {  	_ =	shalt  }
0x7c: {  	_ =	shalt  }
0x7d: {  	_ =	shalt  }
0x7e: {  	_ =	shalt  }
0x7f: {  	_ =	shalt  }
0x80: {  	_ =	shalt  }
0x81: {  	_ =	shalt  }
0x82: {  	_ =	shalt  }
0x83: {  	_ =	shalt  }
0x84: {  	_ =	shalt  }
0x85: {  	_ =	shalt  }
0x86: {  	_ =	shalt  }
0x87: {  	_ =	shalt  }
.Lfunc_end0:
.L_simem_size_0:
called_computation.1_lowered:
.L_overlay_start_0:
0x88: {  	s2 =	sld [smem:$0x3FD9]  }
0x89: {  	s3 =	sld [smem:$0x3FFE];
	_ =	sdelay $0x1  }
0x8a: {  	s1 =	srdreg.scid  }
0x8b: {  	s0 =	sand.u32 $0x1, s1  }
0x8c: {  	s16 =	sshll.u32 s0, $0xA;
	s2 =	sadd.s32 s3, s2  }
0x8d: {  	s2 =	sadd.s32 s2, s16  }
0x8e: {  	[smem:$0x3FC0] =	sst s2  }
0x8f: {  	_ = 	snop  }
0x90: {  	(tm) =	ssettm $0x1  }
0x91: {  	s17 =	sld [smem:$0x3FFB];
	_ =	sdelay $0x3  }
0x92: {  	_ =	strace s17  }
0x93: {  	s2 =	sld [smem:$0x3FFC];
	_ =	sdelay $0x3  }
0x94: {  	_ =	strace s2  }
0x95: {  	s2 =	sld [smem:$0x3FFD];
	_ =	sdelay $0x3  }
0x96: {  	_ =	strace s2  }
0x97: {  	_ =	strace $0x8FFFFFFF  }
0x98: {  	s18 =	sld [smem:$0x3FDB];
	_ =	sdelay $0x1  }
0x99: {  	s19 =	simm.s32 $_scs_section_size  }
0x9a: {  	s4 =	simm.s32 $_size__tile_overlayer_lowered;
	s5 =	simm.s32 $_tile_overlayer_lowered  }
0x9b: {  	s22 =	simm.s32 $0x1BFF;
	s21 =	sshll.u32 s5, $0x1;
	s2 =	sadd.s32 s19, s18  }
0x9c: {  	s6 =	simm.s32 $0x0;
	s20 =	sshll.u32 s4, $0x1;
	s4 =	sadd.s32 s21, s2  }
0x9d: {  	[timem:s6], [sflag:s22] =	dma.local [hbm:s4], s20  }
0x9e: {  	_ =	swait.ge [sflag:s22], s20  }
0x9f: {  	s3 =	ssub.s32 $0x0, s20;
	[sflag:s22] =	ssyncset.done $0x0  }
0xa0: {  	[sflag:s22] =	ssyncadd.s32 s3;
	_ =	sdelay $0x1  }
0xa1: {  	s23 =	simm.s32 $0x1B8B  }
0xa2: {  	_ =	swait.ge [sflag:s23], $0x1  }
0xa3: {  	[sflag:s23] =	ssyncset.done $0x0  }
0xa4: {  	s25 =	simm.s32 $0x1B8E;
	s24 =	sld [smem:$0x3FFE];
	[sflag:s23] =	ssyncadd.s32 $0xFFFFFFFF  }
0xa5: {  	s26 =	simm.s32 $execute0_lowered;
	[smem:$0x3FD2] =	sst s25  }
0xa6: {  	s4 =	sshll.u32 s26, $0x1;
	_ =	strace $0x80000049;
	[dreg:$0x1] =	wrdreg $0xFFFFFFFF  }
0xa7: {  	s28 =	simm.s32 $_size_execute0_lowered;
	s2 =	sadd.s32 s2, s4;
	[dreg:$0x0] =	wrdreg $0x0  }
0xa8: {  	s4 =	sshll.u32 s28, $0x1;
	[dreg:$0x2] =	wrdreg s2  }
0xa9: {  	[dreg:$0x3] =	wrdreg s4  }
0xaa: {  	[dreg:$0x4] =	wrdreg $0xC0  }
0xab: {  	_ =	task [dreg:s6], $0x5FFFF  }
0xac: {  	[dreg:$0x1] =	wrdreg $0xFFFFFFFF  }
0xad: {  	[dreg:$0x0] =	wrdreg $0x60  }
0xae: {  	[dreg:$0x2] =	wrdreg s24  }
0xaf: {  	[dreg:$0x3] =	wrdreg $0x50000  }
0xb0: {  	[dreg:$0x4] =	wrdreg $0x0  }
0xb1: {  	[dreg:$0x5] =	wrdreg $0x9  }
0xb2: {  	_ =	task.clear_ibuf [dreg:s6], $0x6FFFF;
	_ =	strace $0x90000049  }
0xb3: {  	s29 =	simm.s32 $0x9;
	_ =	strace $0x8000004B  }
0xb4: {  	_ =	swait.ge [sflag:s29], $0x1  }
0xb5: {  	[sflag:s29] =	ssyncadd.s32 $0xFFFFFFFF  }
0xb6: {  	_ =	strace $0x9000004B  }
0xb7: {  	_ =	sfence  }
0xb8: {  	s30 =	sld [smem:$0x0];
	_ =	sdelay $0x2  }
0xb9: {  	s31 =	sshll.u32 s1, $0xD;
	s1 =	sshrl.u32 s1, $0x2  }
0xba: {  	s3 =	sand.u32 $0x4000, s31;
	s1 =	sadd.s32 s1, s30  }
0xbb: {  	s0 =	sor.u32 s3, s0;
	s1 =	sshll.u32 s1, $0x11  }
0xbc: {  	s0 =	sor.u32 s1, s0  }
0xbd: {  	s0 =	sadd.s32 $0x8F2B, s0  }
0xbe: {  	[sflag:s0] =	ssyncadd.remote.s32 $0x1  }
0xbf: {  	_ =	sfence.sel $0xFFFF  }
0xc0: {  	[dreg:$0x0] =	wrdreg $0xFFFFFFFF;
	(pc) =	sbr.abs _section_cstart, $3  }
0xc1: {  	[dreg:$0x1] =	wrdreg $0xFFFFFFFF  }
0xc2: {  	_ =	task.clear_ibuf [dreg:s6], $0x2FFFF;
	_ =	strace $0x9FFFFFFF  }
0xc3: {  	(tm) =	ssettm $0x7FFFFFFF  }
tec
execute0_lowered:
.L_overlay_start_1:
0x0: {  	(tag) =	ssettag $0x1  }
0x1: {  	s7 =	rddreg [dreg:$0x0]  }
0x2: {  	s2 =	rddreg [dreg:$0x1]  }
0x3: {  	s3 =	rddreg [dreg:$0x2];
	s4 =	srdreg.scid  }
0x4: {  	s0 =	rddreg [dreg:$0x3];
	s1 =	stileid.u32  }
0x5: {  	s17 =	simm.s32 $0xF000;
	s18 =	simm.s32 $0x1;
	s19 =	simm.s32 $0x10000  }
0x6: {  	s20 =	simm.s32 $0x2;
	s21 =	simm.s32 $0xC780;
	s22 =	simm.s32 $0xEF00  }
0x7: {  	s23 =	simm.s32 $0xEF80;
	s5 =	sand.u32 $0x1, s4;
	s4 =	simm.s32 $0x0  }
0x8: {  	s8 =	smul.u32 $0x5000, s1;
	s30 =	sadd.s32 $0xC000, s7;
	s31 =	sshll.u32 s1, $0x6  }
0x9: {  	s6 =	sshll.u32 s5, $0x4;
	[smem:$0x7FF] =	sst s4;
	s29 =	smul.u32 $0xA000, s5  }
0xa: {  	s10 =	ssub.s32 $0x2, s5;
	s5 =	sadd.s32 $0x20000, s7;
	s6 =	sor.u32 s1, s6  }
0xb: {  	_ =	strace $0x8000004A;
	s24 =	sshrl.u32 s8, $0x3;
	s13 =	sshrl.u32 s10, $0x1  }
0xc: {  	s15 =	sadd.s32 s8, s2;
	s16 =	sadd.s32 s8, s3;
	s11 =	smul.u32 $0x500, s6  }
0xd: {  	s9 =	sadd.s32 s24, s7;
	s14 =	sadd.s32 s29, s7;
	s10 =	ssub.s32 s10, s13  }
0xe: {  	s13 =	sor.u32 $0x1C03, s31;
	s25 =	sadd.s32 $0x20A00, s14;
	s8 =	smax.u32 s10, $0x1  }
0xf: {  	s10 =	simm.s32 $0x3;
	s14 =	sshrl.u32 s15, $0x3;
	s15 =	sshrl.u32 s16, $0x3  }
0x10: {  	s16 =	simm.s32 $0x80;
	s12 =	sadd.s32 s11, s7;
	s7 =	sadd.s32 $0x16000, s9  }
0x11: {  	s9 =	simm.s32 $0xA000;
	s11 =	sadd.s32 s11, s30;
	s24 =	sadd.s32 s24, s25  }
0x12: {  	s25 =	simm.s32 $0x0;
	s6 =	sadd.s32 $0x2000, s12;
	s12 =	simm.s32 $0xC800  }
.LBB2_1:
0x13: {  	[tilespmem:s9], [sflag:$0x3] =	stream.linear.gather [hbm4b:s6+s4], $0x2800, $0x38;
	[tilespmem:$0x11000] =	vst v63  }
0x14: {  	_ =	swait.ge [sflag:s10], $0x2800  }
0x15: {  	[sflag:s10] =	ssyncset.done $0x0  }
0x16: {  	[sflag:s10] =	ssyncadd.s32 $0xFFFFD800  }
0x17: {  	[tilespmem:s12], [sflag:$0x3] =	stream.linear.gather [hbm4b:s11+s4], $0x2800, $0x38;
	[tilespmem:$0x11000] =	vst v63  }
0x18: {  	_ =	swait.ge [sflag:s10], $0x2800  }
0x19: {  	[sflag:s10] =	ssyncset.done $0x0  }
0x1a: {  	[sflag:s10] =	ssyncadd.s32 $0xFFFFD800  }
0x1b: {  	[spmem:s14], [sflag:s13] =	dma.local [hbm:s7], $0xA00  }
0x1c: {  	_ =	swait.ge [sflag:s10], $0xA00  }
0x1d: {  	[sflag:s10] =	ssyncset.done $0x0  }
0x1e: {  	[sflag:s10] =	ssyncadd.s32 $0xFFFFF600  }
0x1f: {  	[spmem:s15], [sflag:s13] =	dma.local [hbm:s5], $0xA00  }
0x20: {  	_ =	swait.ge [sflag:s10], $0xA00  }
0x21: {  	[sflag:s10] =	ssyncset.done $0x0  }
0x22: {  	[sflag:s10] =	ssyncadd.s32 $0xFFFFF600  }
0x23: {  	[bflag:$0x0] =	sbarrier.arrive $0xFFFF  }
0x24: {  	[tilespmem:s17], [sflag:$0x1] =	stream.indirect.gather [spmem:s2], $0x20, s9, s16, $0xb8;
	[tilespmem:$0x11000] =	vst v63  }
0x25: {  	_ =	swait.ge [sflag:s18], $0x1000  }
0x26: {  	[sflag:s18] =	ssyncset.done $0x0  }
0x27: {  	s26 =	simm.s32 $0xA080;
	[sflag:s18] =	ssyncadd.s32 $0xFFFFF000  }
0x28: {  	[tilespmem:s19], [sflag:$0x2] =	stream.indirect.gather [spmem:s2], $0x20, s26, s16, $0xb8;
	[tilespmem:$0x11000] =	vst v63  }
0x29: {  	s29 =	simm.s32 $0xC800  }
0x2a: {  	[spmem:s3] =	stream.indirect.scatter.add.f32 [tilespmem:s17], [sflag:$0x3], $0x20, s29, s16, $0xb8;
	[tilespmem:$0x11000] =	vst v63  }
0x2b: {  	_ =	swait.ge [sflag:s10], $0x1000  }
0x2c: {  	[sflag:s10] =	ssyncset.done $0x0  }
0x2d: {  	[sflag:s10] =	ssyncadd.s32 $0xFFFFF000  }
0x2e: {  	_ =	swait.ge [sflag:s20], $0x1000  }
0x2f: {  	[sflag:s20] =	ssyncset.done $0x0  }
0x30: {  	s30 =	simm.s32 $0xA100;
	[sflag:s20] =	ssyncadd.s32 $0xFFFFF000  }
0x31: {  	[tilespmem:s17], [sflag:$0x1] =	stream.indirect.gather [spmem:s2], $0x20, s30, s16, $0xb8;
	[tilespmem:$0x11000] =	vst v63  }
0x32: {  	s31 =	simm.s32 $0xC880  }
0x33: {  	[spmem:s3] =	stream.indirect.scatter.add.f32 [tilespmem:s19], [sflag:$0x3], $0x20, s31, s16, $0xb8;
	[tilespmem:$0x11000] =	vst v63  }
0x34: {  	_ =	swait.ge [sflag:s10], $0x1000  }
0x35: {  	s26 =	simm.s32 $0x400;
	[sflag:s10] =	ssyncset.done $0x0  }
.LBB2_2:
0x36: {  	p0 =	sne.s32 s26, $0x9800  }
0x37: {  	[sflag:s10] =	ssyncadd.s32 $0xFFFFF000;
	s28 =	smov.u32 s26;
	s26 =	sadd.s32 $0x400, s26  }
0x38: {  	_ = 	snop  }
0x39: {  	_ =	swait.ge [sflag:s18], $0x1000  }
0x3a: {  	s28 =	sshra.s32 s28, $0x2;
	[sflag:s18] =	ssyncset.done $0x0  }
0x3b: {  	s29 =	sadd.s32 $0xA080, s28;
	[sflag:s18] =	ssyncadd.s32 $0xFFFFF000  }
0x3c: {  	[tilespmem:s19], [sflag:$0x2] =	stream.indirect.gather [spmem:s2], $0x20, s29, s16, $0xb8;
	[tilespmem:$0x11000] =	vst v63  }
0x3d: {  	s29 =	sadd.s32 $0xC800, s28  }
0x3e: {  	[spmem:s3] =	stream.indirect.scatter.add.f32 [tilespmem:s17], [sflag:$0x3], $0x20, s29, s16, $0xb8;
	[tilespmem:$0x11000] =	vst v63  }
0x3f: {  	_ =	swait.ge [sflag:s10], $0x1000  }
0x40: {  	[sflag:s10] =	ssyncset.done $0x0  }
0x41: {  	[sflag:s10] =	ssyncadd.s32 $0xFFFFF000  }
0x42: {  	_ =	swait.ge [sflag:s20], $0x1000  }
0x43: {  	[sflag:s20] =	ssyncset.done $0x0  }
0x44: {  	s29 =	sadd.s32 $0xA100, s28;
	[sflag:s20] =	ssyncadd.s32 $0xFFFFF000  }
0x45: {  	[tilespmem:s17], [sflag:$0x1] =	stream.indirect.gather [spmem:s2], $0x20, s29, s16, $0xb8;
	[tilespmem:$0x11000] =	vst v63  }
.Ltmp0:
0x46: {  	_ = 	snop;
	(pc) =	sbr.rel @p0 .LBB2_2-.Ltmp0, $4  }
0x47: {  	s28 =	sadd.s32 $0xC880, s28  }
0x48: {  	[spmem:s3] =	stream.indirect.scatter.add.f32 [tilespmem:s19], [sflag:$0x3], $0x20, s28, s16, $0xb8;
	[tilespmem:$0x11000] =	vst v63  }
0x49: {  	_ =	swait.ge [sflag:s10], $0x1000  }
0x4a: {  	[sflag:s10] =	ssyncset.done $0x0  }
0x4b: {  	[sflag:s10] =	ssyncadd.s32 $0xFFFFF000  }
0x4c: {  	_ =	swait.ge [sflag:s18], $0x1000  }
0x4d: {  	[sflag:s18] =	ssyncset.done $0x0  }
0x4e: {  	[sflag:s18] =	ssyncadd.s32 $0xFFFFF000  }
0x4f: {  	[tilespmem:s19], [sflag:$0x2] =	stream.indirect.gather [spmem:s2], $0x20, s21, s16, $0xb8;
	[tilespmem:$0x11000] =	vst v63  }
0x50: {  	_ = 	snop  }
0x51: {  	[spmem:s3] =	stream.indirect.scatter.add.f32 [tilespmem:s17], [sflag:$0x3], $0x20, s22, s16, $0xb8;
	[tilespmem:$0x11000] =	vst v63  }
0x52: {  	_ =	swait.ge [sflag:s10], $0x1000  }
0x53: {  	[sflag:s10] =	ssyncset.done $0x0  }
0x54: {  	[sflag:s10] =	ssyncadd.s32 $0xFFFFF000  }
0x55: {  	_ =	swait.ge [sflag:s20], $0x1000  }
0x56: {  	[sflag:s20] =	ssyncset.done $0x0  }
0x57: {  	[sflag:s20] =	ssyncadd.s32 $0xFFFFF000  }
0x58: {  	[spmem:s3] =	stream.indirect.scatter.add.f32 [tilespmem:s19], [sflag:$0x3], $0x20, s23, s16, $0xb8;
	[tilespmem:$0x11000] =	vst v63  }
0x59: {  	_ =	swait.ge [sflag:s10], $0x1000  }
0x5a: {  	s25 =	sadd.s32 $0x1, s25;
	[sflag:s10] =	ssyncset.done $0x0  }
0x5b: {  	p0 =	sne.s32 s25, s8;
	[sflag:s10] =	ssyncadd.s32 $0xFFFFF000  }
.Ltmp1:
0x5c: {  	[bflag:$0x0] =	sbarrier.arrive $0xFFFF;
	(pc) =	sbr.rel @p0 .LBB2_1-.Ltmp1, $4  }
0x5d: {  	[hbm:s24], [sflag:s13] =	dma.local [spmem:s15], $0xA00  }
0x5e: {  	_ =	swait.ge [sflag:s10], $0xA00  }
0x5f: {  	[sflag:s10] =	ssyncset.done $0x0  }
0x60: {  	[sflag:s10] =	ssyncadd.s32 $0xFFFFF600  }
0x61: {  	_ =	sfence.sel $0x180000  }
0x62: {  	[bflag:$0x0] =	sbarrier.arrive $0xFFFF  }
0x63: {  	p0 =	sne.s32 s1, $0x0;
	_ =	strace $0x9000004A  }
0x64: {  	s0 =	sadd.s32 @!p0 $0x100000, s0;
	[bflag:$0x2] =	sbarrier.arrive $0xFFFF  }
0x65: {  	[sflag:s0] =	ssyncadd.tile.s32 @!p0 $0x1;
	_ =	shalt  }
.Lfunc_end2:
_tile_overlayer_lowered:
.L_overlay_start_2:
0x66: {  	(tag) =	ssettag $0x2  }
0x67: {  	s0 =	rddreg [dreg:$0x0];
	s2 =	stileid.u32  }
0x68: {  	s1 =	rddreg [dreg:$0x1];
	p0 =	sne.s32 s2, $0x0  }
0x69: {  	s3 =	rddreg [dreg:$0x2];
	[bflag:$0x3] =	sbarrier.arrive $0xFFFF;
	s2 =	simm.s32 @!p0 $0x1C03  }
0x6a: {  	[timem:s3], [sflag:s2] =	dma.local @!p0 [hbm:s0], s1  }
0x6b: {  	s0 =	simm.s32 @!p0 $0x3  }
0x6c: {  	_ =	swait.ge @!p0 [sflag:s0], s1  }
0x6d: {  	s1 =	ssub.s32 @!p0 $0x0, s1;
	[sflag:s0] =	ssyncset.done @!p0 $0x0  }
0x6e: {  	[sflag:s0] =	ssyncadd.s32 @!p0 s1  }
0x6f: {  	[bflag:$0x3] =	sbarrier.arrive $0xFFFF  }
0x70: {  	_ =	shalt  }

// kernel: kernel.15.cloned.1.call-start
scs
__scs_entry_jumppad:
0x0: {  	(pc) =	sbr.rel $0x88, $3  }
0x1: {  	(tag) =	ssettag $0x0;
	lr =	simm.s32 $0x1  }
0x2: {  	[smem:$0x3F99] =	sst lr;
	_ =	strace $0xD0000000  }
0x3: {  	_ = 	snop  }
0x4: {  	_ = 	snop  }
0x5: {  	_ = 	snop  }
0x6: {  	_ = 	snop  }
0x7: {  	_ = 	snop  }
__scs_overlays_trampoline_lowered:
0x8: {  	[smem:$0x3FA8] =	sst s0  }
0x9: {  	[smem:$0x3FA9] =	sst s1  }
0xa: {  	[smem:$0x3FAA] =	sst s2  }
0xb: {  	[smem:$0x3FAB] =	sst s3  }
0xc: {  	[smem:$0x3FAC] =	sst s4  }
0xd: {  	[smem:$0x3FAD] =	sst s5  }
0xe: {  	[smem:$0x3FAE] =	sst s6  }
0xf: {  	[smem:$0x3FAF] =	sst s7  }
0x10: {  	[smem:$0x3FB0] =	sst s8  }
0x11: {  	[smem:$0x3FB1] =	sst s9;
	s0 =	simm.s32 @!p0 $0x0  }
0x12: {  	s1 =	sld [smem:$0x3F97];
	s0 =	simm.s32 @p0 $0x1  }
0x13: {  	[smem:$0x3FB2] =	sst s0;
	s0 =	simm.s32 @!p1 $0x0  }
0x14: {  	s2 =	sld [smem:$0x3F96];
	s0 =	simm.s32 @p1 $0x1  }
0x15: {  	[smem:$0x3FB3] =	sst s0;
	s0 =	simm.s32 @!p2 $0x0  }
0x16: {  	s3 =	sld [smem:$0x3FDB];
	s0 =	simm.s32 @p2 $0x1  }
0x17: {  	s4 =	simm.s32 $0x1BF5;
	[smem:$0x3FB5] =	sst s0  }
0x18: {  	s0 =	sld [smem:$0x3F98];
	_ =	swait.ge [sflag:s4], $0x0  }
0x19: {  	s7 =	sld [smem:$0x3F99]  }
0x1a: {  	s8 =	sadd.s32 $0xFFFFE003, lr  }
0x1b: {  	s9 =	sadd.s32 $0xFFFFFEF7, lr;
	s5 =	simm.s32 $0xFFFFFFFF;
	p2 =	slt.u32 s8, $0xFFFFF086  }
0x1c: {  	p1 =	slt.u32 s9, $0xF7A;
	s5 =	simm.s32 @!p2 $0x0  }
0x1d: {  	s5 =	simm.s32 @p1 $0x1;
	p0 =	seq.s32 s7, s2  }
0x1e: {  	s7 =	smul.u32 @!p0 $0xF7A, s2;
	p2 =	seq.s32 @!p0 s5, $0x0  }
0x1f: {  	s9 =	smul.u32 $0xF7A, s1;
	s8 =	simm.s32 @!p0 $0x1BF5;
	p2 =	por !p2, p0  }
0x20: {  	[sflag:s8] =	ssyncset.s32 @!p0 $0xFFFFF086;
	s6 =	sadd.s32 @!p0 s3, s7;
	s7 =	simm.s32 @!p0 $0x108  }
0x21: {  	s3 =	sadd.s32 s3, s9;
	s6 =	sadd.s32 @!p0 $0x88, s6;
	s7 =	simm.s32 @p2 $0x1082  }
0x22: {  	[simem:s7], [sflag:s8] =	dma.local @!p0 [hbm:s6], $0xF7A  }
0x23: {  	s9 =	sor.u32 $0xD0000000, s2;
	s6 =	simm.s32 $0x108;
	_ =	swait.ge @!p0 [sflag:s8], $0x0  }
0x24: {  	s3 =	sadd.s32 $0x88, s3;
	s6 =	simm.s32 @!p1 $0x1082;
	[sflag:s4] =	ssyncset.s32 $0xFFFFF086  }
0x25: {  	[simem:s6], [sflag:s4] =	dma.local [hbm:s3], $0xF7A  }
0x26: {  	[smem:$0x3F99] =	sst s1;
	(tag) =	ssettag s2;
	_ =	strace s9  }
0x27: {  	s1 =	sld [smem:$0x3FA9]  }
0x28: {  	s2 =	sld [smem:$0x3FAA]  }
0x29: {  	s4 =	sld [smem:$0x3FAC]  }
0x2a: {  	p0 =	seq.s32 s5, $0x0;
	s5 =	sld [smem:$0x3FAD]  }
0x2b: {  	s6 =	sld [smem:$0x3FAE]  }
0x2c: {  	s7 =	sld [smem:$0x3FAF]  }
0x2d: {  	s3 =	simm.s32 $0x108;
	s8 =	sld [smem:$0x3FB0]  }
0x2e: {  	s3 =	simm.s32 @!p0 $0x1082;
	s9 =	sld [smem:$0x3FB1]  }
0x2f: {  	lr =	sadd.s32 s0, s3;
	s0 =	sld [smem:$0x3FA8]  }
0x30: {  	s3 =	sld [smem:$0x3FAB]  }
0x31: {  	[smem:$0x3FB4] =	sst s10  }
0x32: {  	s10 =	sld [smem:$0x3FB2];
	_ =	sdelay $0x3  }
0x33: {  	p0 =	seq.s32 s10, $0x1;
	s10 =	sld [smem:$0x3FB4];
	_ =	sdelay $0x3  }
0x34: {  	[smem:$0x3FB4] =	sst s10  }
0x35: {  	s10 =	sld [smem:$0x3FB3];
	_ =	sdelay $0x3  }
0x36: {  	p1 =	seq.s32 s10, $0x1;
	s10 =	sld [smem:$0x3FB4];
	_ =	sdelay $0x3  }
0x37: {  	[smem:$0x3FB4] =	sst s10  }
0x38: {  	s10 =	sld [smem:$0x3FB5]  }
0x39: {  	_ = 	snop;
	(pc) =	sbr.ind lr, $3  }
0x3a: {  	_ = 	snop  }
0x3b: {  	_ = 	snop  }
0x3c: {  	p2 =	seq.s32 s10, $0x1;
	s10 =	sld [smem:$0x3FB4]  }
0x3d: {  	_ =	shalt  }
0x3e: {  	_ =	shalt  }
0x3f: {  	_ =	shalt  }
0x40: {  	_ =	shalt  }
0x41: {  	_ =	shalt  }
0x42: {  	_ =	shalt  }
0x43: {  	_ =	shalt  }
0x44: {  	_ =	shalt  }
0x45: {  	_ =	shalt  }
0x46: {  	_ =	shalt  }
0x47: {  	_ =	shalt  }
0x48: {  	_ =	shalt  }
0x49: {  	_ =	shalt  }
0x4a: {  	_ =	shalt  }
0x4b: {  	_ =	shalt  }
0x4c: {  	_ =	shalt  }
0x4d: {  	_ =	shalt  }
0x4e: {  	_ =	shalt  }
0x4f: {  	_ =	shalt  }
0x50: {  	_ =	shalt  }
0x51: {  	_ =	shalt  }
0x52: {  	_ =	shalt  }
0x53: {  	_ =	shalt  }
0x54: {  	_ =	shalt  }
0x55: {  	_ =	shalt  }
0x56: {  	_ =	shalt  }
0x57: {  	_ =	shalt  }
0x58: {  	_ =	shalt  }
0x59: {  	_ =	shalt  }
0x5a: {  	_ =	shalt  }
0x5b: {  	_ =	shalt  }
0x5c: {  	_ =	shalt  }
0x5d: {  	_ =	shalt  }
0x5e: {  	_ =	shalt  }
0x5f: {  	_ =	shalt  }
0x60: {  	_ =	shalt  }
0x61: {  	_ =	shalt  }
0x62: {  	_ =	shalt  }
0x63: {  	_ =	shalt  }
0x64: {  	_ =	shalt  }
0x65: {  	_ =	shalt  }
0x66: {  	_ =	shalt  }
0x67: {  	_ =	shalt  }
0x68: {  	_ =	shalt  }
0x69: {  	_ =	shalt  }
0x6a: {  	_ =	shalt  }
0x6b: {  	_ =	shalt  }
0x6c: {  	_ =	shalt  }
0x6d: {  	_ =	shalt  }
0x6e: {  	_ =	shalt  }
0x6f: {  	_ =	shalt  }
0x70: {  	_ =	shalt  }
0x71: {  	_ =	shalt  }
0x72: {  	_ =	shalt  }
0x73: {  	_ =	shalt  }
0x74: {  	_ =	shalt  }
0x75: {  	_ =	shalt  }
0x76: {  	_ =	shalt  }
0x77: {  	_ =	shalt  }
0x78: {  	_ =	shalt  }
0x79: {  	_ =	shalt  }
0x7a: {  	_ =	shalt  }
0x7b: {  	_ =	shalt  }
0x7c: {  	_ =	shalt  }
0x7d: {  	_ =	shalt  }
0x7e: {  	_ =	shalt  }
0x7f: {  	_ =	shalt  }
0x80: {  	_ =	shalt  }
0x81: {  	_ =	shalt  }
0x82: {  	_ =	shalt  }
0x83: {  	_ =	shalt  }
0x84: {  	_ =	shalt  }
0x85: {  	_ =	shalt  }
0x86: {  	_ =	shalt  }
0x87: {  	_ =	shalt  }
.Lfunc_end0:
.L_simem_size_0:
called_computation.2_lowered:
.L_overlay_start_0:
0x88: {  	s2 =	sld [smem:$0x3FD9]  }
0x89: {  	s3 =	sld [smem:$0x3FFE];
	_ =	sdelay $0x1  }
0x8a: {  	s1 =	srdreg.scid  }
0x8b: {  	s0 =	sand.u32 $0x1, s1  }
0x8c: {  	s16 =	sshll.u32 s0, $0xA;
	s2 =	sadd.s32 s3, s2  }
0x8d: {  	s2 =	sadd.s32 s2, s16  }
0x8e: {  	[smem:$0x3FC0] =	sst s2  }
0x8f: {  	_ = 	snop  }
0x90: {  	(tm) =	ssettm $0x1  }
0x91: {  	s17 =	sld [smem:$0x3FFB];
	_ =	sdelay $0x3  }
0x92: {  	_ =	strace s17  }
0x93: {  	s2 =	sld [smem:$0x3FFC];
	_ =	sdelay $0x3  }
0x94: {  	_ =	strace s2  }
0x95: {  	s2 =	sld [smem:$0x3FFD];
	_ =	sdelay $0x3  }
0x96: {  	_ =	strace s2  }
0x97: {  	_ =	strace $0x8FFFFFFF  }
0x98: {  	s18 =	sld [smem:$0x3FDB];
	_ =	sdelay $0x1  }
0x99: {  	s19 =	simm.s32 $_scs_section_size  }
0x9a: {  	s4 =	simm.s32 $_size__tile_overlayer_lowered;
	s5 =	simm.s32 $_tile_overlayer_lowered  }
0x9b: {  	s22 =	simm.s32 $0x1BFF;
	s21 =	sshll.u32 s5, $0x1;
	s2 =	sadd.s32 s19, s18  }
0x9c: {  	s6 =	simm.s32 $0x0;
	s20 =	sshll.u32 s4, $0x1;
	s4 =	sadd.s32 s21, s2  }
0x9d: {  	[timem:s6], [sflag:s22] =	dma.local [hbm:s4], s20  }
0x9e: {  	_ =	swait.ge [sflag:s22], s20  }
0x9f: {  	s3 =	ssub.s32 $0x0, s20;
	[sflag:s22] =	ssyncset.done $0x0  }
0xa0: {  	[sflag:s22] =	ssyncadd.s32 s3;
	_ =	sdelay $0x1  }
0xa1: {  	s23 =	simm.s32 $0x1B8B  }
0xa2: {  	_ =	swait.ge [sflag:s23], $0x1  }
0xa3: {  	[sflag:s23] =	ssyncset.done $0x0  }
0xa4: {  	s25 =	simm.s32 $0x1B8E;
	s24 =	sld [smem:$0x3FFE];
	[sflag:s23] =	ssyncadd.s32 $0xFFFFFFFF  }
0xa5: {  	s26 =	simm.s32 $execute0_lowered;
	[smem:$0x3FD2] =	sst s25  }
0xa6: {  	s4 =	sshll.u32 s26, $0x1;
	_ =	strace $0x8000004C;
	[dreg:$0x1] =	wrdreg $0xFFFFFFFF  }
0xa7: {  	s28 =	simm.s32 $_size_execute0_lowered;
	s2 =	sadd.s32 s2, s4;
	[dreg:$0x0] =	wrdreg $0x0  }
0xa8: {  	s4 =	sshll.u32 s28, $0x1;
	[dreg:$0x2] =	wrdreg s2  }
0xa9: {  	[dreg:$0x3] =	wrdreg s4  }
0xaa: {  	[dreg:$0x4] =	wrdreg $0xC0  }
0xab: {  	_ =	task [dreg:s6], $0x5FFFF  }
0xac: {  	[dreg:$0x1] =	wrdreg $0xFFFFFFFF  }
0xad: {  	[dreg:$0x0] =	wrdreg $0x60  }
0xae: {  	[dreg:$0x2] =	wrdreg s24  }
0xaf: {  	[dreg:$0x3] =	wrdreg $0x50000  }
0xb0: {  	[dreg:$0x4] =	wrdreg $0x0  }
0xb1: {  	[dreg:$0x5] =	wrdreg $0x9  }
0xb2: {  	_ =	task.clear_ibuf [dreg:s6], $0x6FFFF;
	_ =	strace $0x9000004C  }
0xb3: {  	s29 =	simm.s32 $0x9;
	_ =	strace $0x8000004E  }
0xb4: {  	_ =	swait.ge [sflag:s29], $0x1  }
0xb5: {  	[sflag:s29] =	ssyncadd.s32 $0xFFFFFFFF  }
0xb6: {  	_ =	strace $0x9000004E  }
0xb7: {  	_ =	sfence  }
0xb8: {  	s30 =	sld [smem:$0x0];
	_ =	sdelay $0x2  }
0xb9: {  	s31 =	sshll.u32 s1, $0xD;
	s1 =	sshrl.u32 s1, $0x2  }
0xba: {  	s3 =	sand.u32 $0x4000, s31;
	s1 =	sadd.s32 s1, s30  }
0xbb: {  	s0 =	sor.u32 s3, s0;
	s1 =	sshll.u32 s1, $0x11  }
0xbc: {  	s0 =	sor.u32 s1, s0  }
0xbd: {  	s0 =	sadd.s32 $0x8F2B, s0  }
0xbe: {  	[sflag:s0] =	ssyncadd.remote.s32 $0x1  }
0xbf: {  	_ =	sfence.sel $0xFFFF  }
0xc0: {  	[dreg:$0x0] =	wrdreg $0xFFFFFFFF;
	(pc) =	sbr.abs _section_cstart, $3  }
0xc1: {  	[dreg:$0x1] =	wrdreg $0xFFFFFFFF  }
0xc2: {  	_ =	task.clear_ibuf [dreg:s6], $0x2FFFF;
	_ =	strace $0x9FFFFFFF  }
0xc3: {  	(tm) =	ssettm $0x7FFFFFFF  }
tec
execute0_lowered:
.L_overlay_start_1:
0x0: {  	(tag) =	ssettag $0x1  }
0x1: {  	s7 =	rddreg [dreg:$0x0]  }
0x2: {  	s2 =	rddreg [dreg:$0x1]  }
0x3: {  	s3 =	rddreg [dreg:$0x2];
	s4 =	srdreg.scid  }
0x4: {  	s0 =	rddreg [dreg:$0x3];
	s1 =	stileid.u32  }
0x5: {  	s17 =	simm.s32 $0xF000;
	s18 =	simm.s32 $0x1;
	s19 =	simm.s32 $0x10000  }
0x6: {  	s20 =	simm.s32 $0x2;
	s21 =	simm.s32 $0xC780;
	s22 =	simm.s32 $0xEF00  }
0x7: {  	s23 =	simm.s32 $0xEF80;
	s5 =	sand.u32 $0x1, s4;
	s4 =	simm.s32 $0x0  }
0x8: {  	s8 =	smul.u32 $0x5000, s1;
	s30 =	sadd.s32 $0xC000, s7;
	s31 =	sshll.u32 s1, $0x6  }
0x9: {  	s6 =	sshll.u32 s5, $0x4;
	[smem:$0x7FF] =	sst s4;
	s29 =	smul.u32 $0xA000, s5  }
0xa: {  	s10 =	ssub.s32 $0x2, s5;
	s5 =	sadd.s32 $0x20000, s7;
	s6 =	sor.u32 s1, s6  }
0xb: {  	_ =	strace $0x8000004D;
	s24 =	sshrl.u32 s8, $0x3;
	s13 =	sshrl.u32 s10, $0x1  }
0xc: {  	s15 =	sadd.s32 s8, s2;
	s16 =	sadd.s32 s8, s3;
	s11 =	smul.u32 $0x500, s6  }
0xd: {  	s9 =	sadd.s32 s24, s7;
	s14 =	sadd.s32 s29, s7;
	s10 =	ssub.s32 s10, s13  }
0xe: {  	s13 =	sor.u32 $0x1C03, s31;
	s25 =	sadd.s32 $0x20A00, s14;
	s8 =	smax.u32 s10, $0x1  }
0xf: {  	s10 =	simm.s32 $0x3;
	s14 =	sshrl.u32 s15, $0x3;
	s15 =	sshrl.u32 s16, $0x3  }
0x10: {  	s16 =	simm.s32 $0x80;
	s12 =	sadd.s32 s11, s7;
	s7 =	sadd.s32 $0x16000, s9  }
0x11: {  	s9 =	simm.s32 $0xA000;
	s11 =	sadd.s32 s11, s30;
	s24 =	sadd.s32 s24, s25  }
0x12: {  	s25 =	simm.s32 $0x0;
	s6 =	sadd.s32 $0x2000, s12;
	s12 =	simm.s32 $0xC800  }
.LBB2_1:
0x13: {  	[tilespmem:s9], [sflag:$0x3] =	stream.linear.gather [hbm4b:s6+s4], $0x2800, $0x38;
	[tilespmem:$0x11000] =	vst v63  }
0x14: {  	_ =	swait.ge [sflag:s10], $0x2800  }
0x15: {  	[sflag:s10] =	ssyncset.done $0x0  }
0x16: {  	[sflag:s10] =	ssyncadd.s32 $0xFFFFD800  }
0x17: {  	[tilespmem:s12], [sflag:$0x3] =	stream.linear.gather [hbm4b:s11+s4], $0x2800, $0x38;
	[tilespmem:$0x11000] =	vst v63  }
0x18: {  	_ =	swait.ge [sflag:s10], $0x2800  }
0x19: {  	[sflag:s10] =	ssyncset.done $0x0  }
0x1a: {  	[sflag:s10] =	ssyncadd.s32 $0xFFFFD800  }
0x1b: {  	[spmem:s14], [sflag:s13] =	dma.local [hbm:s7], $0xA00  }
0x1c: {  	_ =	swait.ge [sflag:s10], $0xA00  }
0x1d: {  	[sflag:s10] =	ssyncset.done $0x0  }
0x1e: {  	[sflag:s10] =	ssyncadd.s32 $0xFFFFF600  }
0x1f: {  	[spmem:s15], [sflag:s13] =	dma.local [hbm:s5], $0xA00  }
0x20: {  	_ =	swait.ge [sflag:s10], $0xA00  }
0x21: {  	[sflag:s10] =	ssyncset.done $0x0  }
0x22: {  	[sflag:s10] =	ssyncadd.s32 $0xFFFFF600  }
0x23: {  	[bflag:$0x0] =	sbarrier.arrive $0xFFFF  }
0x24: {  	[tilespmem:s17], [sflag:$0x1] =	stream.indirect.gather [spmem:s2], $0x20, s9, s16, $0xb8;
	[tilespmem:$0x11000] =	vst v63  }
0x25: {  	_ =	swait.ge [sflag:s18], $0x1000  }
0x26: {  	[sflag:s18] =	ssyncset.done $0x0  }
0x27: {  	s26 =	simm.s32 $0xA080;
	[sflag:s18] =	ssyncadd.s32 $0xFFFFF000  }
0x28: {  	[tilespmem:s19], [sflag:$0x2] =	stream.indirect.gather [spmem:s2], $0x20, s26, s16, $0xb8;
	[tilespmem:$0x11000] =	vst v63  }
0x29: {  	s29 =	simm.s32 $0xC800  }
0x2a: {  	[spmem:s3] =	stream.indirect.scatter.add.f32 [tilespmem:s17], [sflag:$0x3], $0x20, s29, s16, $0xb8;
	[tilespmem:$0x11000] =	vst v63  }
0x2b: {  	_ =	swait.ge [sflag:s10], $0x1000  }
0x2c: {  	[sflag:s10] =	ssyncset.done $0x0  }
0x2d: {  	[sflag:s10] =	ssyncadd.s32 $0xFFFFF000  }
0x2e: {  	_ =	swait.ge [sflag:s20], $0x1000  }
0x2f: {  	[sflag:s20] =	ssyncset.done $0x0  }
0x30: {  	s30 =	simm.s32 $0xA100;
	[sflag:s20] =	ssyncadd.s32 $0xFFFFF000  }
0x31: {  	[tilespmem:s17], [sflag:$0x1] =	stream.indirect.gather [spmem:s2], $0x20, s30, s16, $0xb8;
	[tilespmem:$0x11000] =	vst v63  }
0x32: {  	s31 =	simm.s32 $0xC880  }
0x33: {  	[spmem:s3] =	stream.indirect.scatter.add.f32 [tilespmem:s19], [sflag:$0x3], $0x20, s31, s16, $0xb8;
	[tilespmem:$0x11000] =	vst v63  }
0x34: {  	_ =	swait.ge [sflag:s10], $0x1000  }
0x35: {  	s26 =	simm.s32 $0x400;
	[sflag:s10] =	ssyncset.done $0x0  }
.LBB2_2:
0x36: {  	p0 =	sne.s32 s26, $0x9800  }
0x37: {  	[sflag:s10] =	ssyncadd.s32 $0xFFFFF000;
	s28 =	smov.u32 s26;
	s26 =	sadd.s32 $0x400, s26  }
0x38: {  	_ = 	snop  }
0x39: {  	_ =	swait.ge [sflag:s18], $0x1000  }
0x3a: {  	s28 =	sshra.s32 s28, $0x2;
	[sflag:s18] =	ssyncset.done $0x0  }
0x3b: {  	s29 =	sadd.s32 $0xA080, s28;
	[sflag:s18] =	ssyncadd.s32 $0xFFFFF000  }
0x3c: {  	[tilespmem:s19], [sflag:$0x2] =	stream.indirect.gather [spmem:s2], $0x20, s29, s16, $0xb8;
	[tilespmem:$0x11000] =	vst v63  }
0x3d: {  	s29 =	sadd.s32 $0xC800, s28  }
0x3e: {  	[spmem:s3] =	stream.indirect.scatter.add.f32 [tilespmem:s17], [sflag:$0x3], $0x20, s29, s16, $0xb8;
	[tilespmem:$0x11000] =	vst v63  }
0x3f: {  	_ =	swait.ge [sflag:s10], $0x1000  }
0x40: {  	[sflag:s10] =	ssyncset.done $0x0  }
0x41: {  	[sflag:s10] =	ssyncadd.s32 $0xFFFFF000  }
0x42: {  	_ =	swait.ge [sflag:s20], $0x1000  }
0x43: {  	[sflag:s20] =	ssyncset.done $0x0  }
0x44: {  	s29 =	sadd.s32 $0xA100, s28;
	[sflag:s20] =	ssyncadd.s32 $0xFFFFF000  }
0x45: {  	[tilespmem:s17], [sflag:$0x1] =	stream.indirect.gather [spmem:s2], $0x20, s29, s16, $0xb8;
	[tilespmem:$0x11000] =	vst v63  }
.Ltmp0:
0x46: {  	_ = 	snop;
	(pc) =	sbr.rel @p0 .LBB2_2-.Ltmp0, $4  }
0x47: {  	s28 =	sadd.s32 $0xC880, s28  }
0x48: {  	[spmem:s3] =	stream.indirect.scatter.add.f32 [tilespmem:s19], [sflag:$0x3], $0x20, s28, s16, $0xb8;
	[tilespmem:$0x11000] =	vst v63  }
0x49: {  	_ =	swait.ge [sflag:s10], $0x1000  }
0x4a: {  	[sflag:s10] =	ssyncset.done $0x0  }
0x4b: {  	[sflag:s10] =	ssyncadd.s32 $0xFFFFF000  }
0x4c: {  	_ =	swait.ge [sflag:s18], $0x1000  }
0x4d: {  	[sflag:s18] =	ssyncset.done $0x0  }
0x4e: {  	[sflag:s18] =	ssyncadd.s32 $0xFFFFF000  }
0x4f: {  	[tilespmem:s19], [sflag:$0x2] =	stream.indirect.gather [spmem:s2], $0x20, s21, s16, $0xb8;
	[tilespmem:$0x11000] =	vst v63  }
0x50: {  	_ = 	snop  }
0x51: {  	[spmem:s3] =	stream.indirect.scatter.add.f32 [tilespmem:s17], [sflag:$0x3], $0x20, s22, s16, $0xb8;
	[tilespmem:$0x11000] =	vst v63  }
0x52: {  	_ =	swait.ge [sflag:s10], $0x1000  }
0x53: {  	[sflag:s10] =	ssyncset.done $0x0  }
0x54: {  	[sflag:s10] =	ssyncadd.s32 $0xFFFFF000  }
0x55: {  	_ =	swait.ge [sflag:s20], $0x1000  }
0x56: {  	[sflag:s20] =	ssyncset.done $0x0  }
0x57: {  	[sflag:s20] =	ssyncadd.s32 $0xFFFFF000  }
0x58: {  	[spmem:s3] =	stream.indirect.scatter.add.f32 [tilespmem:s19], [sflag:$0x3], $0x20, s23, s16, $0xb8;
	[tilespmem:$0x11000] =	vst v63  }
0x59: {  	_ =	swait.ge [sflag:s10], $0x1000  }
0x5a: {  	s25 =	sadd.s32 $0x1, s25;
	[sflag:s10] =	ssyncset.done $0x0  }
0x5b: {  	p0 =	sne.s32 s25, s8;
	[sflag:s10] =	ssyncadd.s32 $0xFFFFF000  }
.Ltmp1:
0x5c: {  	[bflag:$0x0] =	sbarrier.arrive $0xFFFF;
	(pc) =	sbr.rel @p0 .LBB2_1-.Ltmp1, $4  }
0x5d: {  	[hbm:s24], [sflag:s13] =	dma.local [spmem:s15], $0xA00  }
0x5e: {  	_ =	swait.ge [sflag:s10], $0xA00  }
0x5f: {  	[sflag:s10] =	ssyncset.done $0x0  }
0x60: {  	[sflag:s10] =	ssyncadd.s32 $0xFFFFF600  }
0x61: {  	_ =	sfence.sel $0x180000  }
0x62: {  	[bflag:$0x0] =	sbarrier.arrive $0xFFFF  }
0x63: {  	p0 =	sne.s32 s1, $0x0;
	_ =	strace $0x9000004D  }
0x64: {  	s0 =	sadd.s32 @!p0 $0x100000, s0;
	[bflag:$0x2] =	sbarrier.arrive $0xFFFF  }
0x65: {  	[sflag:s0] =	ssyncadd.tile.s32 @!p0 $0x1;
	_ =	shalt  }
.Lfunc_end2:
_tile_overlayer_lowered:
.L_overlay_start_2:
0x66: {  	(tag) =	ssettag $0x2  }
0x67: {  	s0 =	rddreg [dreg:$0x0];
	s2 =	stileid.u32  }
0x68: {  	s1 =	rddreg [dreg:$0x1];
	p0 =	sne.s32 s2, $0x0  }
0x69: {  	s3 =	rddreg [dreg:$0x2];
	[bflag:$0x3] =	sbarrier.arrive $0xFFFF;
	s2 =	simm.s32 @!p0 $0x1C03  }
0x6a: {  	[timem:s3], [sflag:s2] =	dma.local @!p0 [hbm:s0], s1  }
0x6b: {  	s0 =	simm.s32 @!p0 $0x3  }
0x6c: {  	_ =	swait.ge @!p0 [sflag:s0], s1  }
0x6d: {  	s1 =	ssub.s32 @!p0 $0x0, s1;
	[sflag:s0] =	ssyncset.done @!p0 $0x0  }
0x6e: {  	[sflag:s0] =	ssyncadd.s32 @!p0 s1  }
0x6f: {  	[bflag:$0x3] =	sbarrier.arrive $0xFFFF  }
0x70: {  	_ =	shalt  }

// kernel: kernel.9.cloned.1.call-start
scs
__scs_entry_jumppad:
0x0: {  	(pc) =	sbr.rel $0x88, $3  }
0x1: {  	(tag) =	ssettag $0x0;
	lr =	simm.s32 $0x1  }
0x2: {  	[smem:$0x3F99] =	sst lr;
	_ =	strace $0xD0000000  }
0x3: {  	_ = 	snop  }
0x4: {  	_ = 	snop  }
0x5: {  	_ = 	snop  }
0x6: {  	_ = 	snop  }
0x7: {  	_ = 	snop  }
__scs_overlays_trampoline_lowered:
0x8: {  	[smem:$0x3FA8] =	sst s0  }
0x9: {  	[smem:$0x3FA9] =	sst s1  }
0xa: {  	[smem:$0x3FAA] =	sst s2  }
0xb: {  	[smem:$0x3FAB] =	sst s3  }
0xc: {  	[smem:$0x3FAC] =	sst s4  }
0xd: {  	[smem:$0x3FAD] =	sst s5  }
0xe: {  	[smem:$0x3FAE] =	sst s6  }
0xf: {  	[smem:$0x3FAF] =	sst s7  }
0x10: {  	[smem:$0x3FB0] =	sst s8  }
0x11: {  	[smem:$0x3FB1] =	sst s9;
	s0 =	simm.s32 @!p0 $0x0  }
0x12: {  	s1 =	sld [smem:$0x3F97];
	s0 =	simm.s32 @p0 $0x1  }
0x13: {  	[smem:$0x3FB2] =	sst s0;
	s0 =	simm.s32 @!p1 $0x0  }
0x14: {  	s2 =	sld [smem:$0x3F96];
	s0 =	simm.s32 @p1 $0x1  }
0x15: {  	[smem:$0x3FB3] =	sst s0;
	s0 =	simm.s32 @!p2 $0x0  }
0x16: {  	s3 =	sld [smem:$0x3FDB];
	s0 =	simm.s32 @p2 $0x1  }
0x17: {  	s4 =	simm.s32 $0x1BF5;
	[smem:$0x3FB5] =	sst s0  }
0x18: {  	s0 =	sld [smem:$0x3F98];
	_ =	swait.ge [sflag:s4], $0x0  }
0x19: {  	s7 =	sld [smem:$0x3F99]  }
0x1a: {  	s8 =	sadd.s32 $0xFFFFE003, lr  }
0x1b: {  	s9 =	sadd.s32 $0xFFFFFEF7, lr;
	s5 =	simm.s32 $0xFFFFFFFF;
	p2 =	slt.u32 s8, $0xFFFFF086  }
0x1c: {  	p1 =	slt.u32 s9, $0xF7A;
	s5 =	simm.s32 @!p2 $0x0  }
0x1d: {  	s5 =	simm.s32 @p1 $0x1;
	p0 =	seq.s32 s7, s2  }
0x1e: {  	s7 =	smul.u32 @!p0 $0xF7A, s2;
	p2 =	seq.s32 @!p0 s5, $0x0  }
0x1f: {  	s9 =	smul.u32 $0xF7A, s1;
	s8 =	simm.s32 @!p0 $0x1BF5;
	p2 =	por !p2, p0  }
0x20: {  	[sflag:s8] =	ssyncset.s32 @!p0 $0xFFFFF086;
	s6 =	sadd.s32 @!p0 s3, s7;
	s7 =	simm.s32 @!p0 $0x108  }
0x21: {  	s3 =	sadd.s32 s3, s9;
	s6 =	sadd.s32 @!p0 $0x88, s6;
	s7 =	simm.s32 @p2 $0x1082  }
0x22: {  	[simem:s7], [sflag:s8] =	dma.local @!p0 [hbm:s6], $0xF7A  }
0x23: {  	s9 =	sor.u32 $0xD0000000, s2;
	s6 =	simm.s32 $0x108;
	_ =	swait.ge @!p0 [sflag:s8], $0x0  }
0x24: {  	s3 =	sadd.s32 $0x88, s3;
	s6 =	simm.s32 @!p1 $0x1082;
	[sflag:s4] =	ssyncset.s32 $0xFFFFF086  }
0x25: {  	[simem:s6], [sflag:s4] =	dma.local [hbm:s3], $0xF7A  }
0x26: {  	[smem:$0x3F99] =	sst s1;
	(tag) =	ssettag s2;
	_ =	strace s9  }
0x27: {  	s1 =	sld [smem:$0x3FA9]  }
0x28: {  	s2 =	sld [smem:$0x3FAA]  }
0x29: {  	s4 =	sld [smem:$0x3FAC]  }
0x2a: {  	p0 =	seq.s32 s5, $0x0;
	s5 =	sld [smem:$0x3FAD]  }
0x2b: {  	s6 =	sld [smem:$0x3FAE]  }
0x2c: {  	s7 =	sld [smem:$0x3FAF]  }
0x2d: {  	s3 =	simm.s32 $0x108;
	s8 =	sld [smem:$0x3FB0]  }
0x2e: {  	s3 =	simm.s32 @!p0 $0x1082;
	s9 =	sld [smem:$0x3FB1]  }
0x2f: {  	lr =	sadd.s32 s0, s3;
	s0 =	sld [smem:$0x3FA8]  }
0x30: {  	s3 =	sld [smem:$0x3FAB]  }
0x31: {  	[smem:$0x3FB4] =	sst s10  }
0x32: {  	s10 =	sld [smem:$0x3FB2];
	_ =	sdelay $0x3  }
0x33: {  	p0 =	seq.s32 s10, $0x1;
	s10 =	sld [smem:$0x3FB4];
	_ =	sdelay $0x3  }
0x34: {  	[smem:$0x3FB4] =	sst s10  }
0x35: {  	s10 =	sld [smem:$0x3FB3];
	_ =	sdelay $0x3  }
0x36: {  	p1 =	seq.s32 s10, $0x1;
	s10 =	sld [smem:$0x3FB4];
	_ =	sdelay $0x3  }
0x37: {  	[smem:$0x3FB4] =	sst s10  }
0x38: {  	s10 =	sld [smem:$0x3FB5]  }
0x39: {  	_ = 	snop;
	(pc) =	sbr.ind lr, $3  }
0x3a: {  	_ = 	snop  }
0x3b: {  	_ = 	snop  }
0x3c: {  	p2 =	seq.s32 s10, $0x1;
	s10 =	sld [smem:$0x3FB4]  }
0x3d: {  	_ =	shalt  }
0x3e: {  	_ =	shalt  }
0x3f: {  	_ =	shalt  }
0x40: {  	_ =	shalt  }
0x41: {  	_ =	shalt  }
0x42: {  	_ =	shalt  }
0x43: {  	_ =	shalt  }
0x44: {  	_ =	shalt  }
0x45: {  	_ =	shalt  }
0x46: {  	_ =	shalt  }
0x47: {  	_ =	shalt  }
0x48: {  	_ =	shalt  }
0x49: {  	_ =	shalt  }
0x4a: {  	_ =	shalt  }
0x4b: {  	_ =	shalt  }
0x4c: {  	_ =	shalt  }
0x4d: {  	_ =	shalt  }
0x4e: {  	_ =	shalt  }
0x4f: {  	_ =	shalt  }
0x50: {  	_ =	shalt  }
0x51: {  	_ =	shalt  }
0x52: {  	_ =	shalt  }
0x53: {  	_ =	shalt  }
0x54: {  	_ =	shalt  }
0x55: {  	_ =	shalt  }
0x56: {  	_ =	shalt  }
0x57: {  	_ =	shalt  }
0x58: {  	_ =	shalt  }
0x59: {  	_ =	shalt  }
0x5a: {  	_ =	shalt  }
0x5b: {  	_ =	shalt  }
0x5c: {  	_ =	shalt  }
0x5d: {  	_ =	shalt  }
0x5e: {  	_ =	shalt  }
0x5f: {  	_ =	shalt  }
0x60: {  	_ =	shalt  }
0x61: {  	_ =	shalt  }
0x62: {  	_ =	shalt  }
0x63: {  	_ =	shalt  }
0x64: {  	_ =	shalt  }
0x65: {  	_ =	shalt  }
0x66: {  	_ =	shalt  }
0x67: {  	_ =	shalt  }
0x68: {  	_ =	shalt  }
0x69: {  	_ =	shalt  }
0x6a: {  	_ =	shalt  }
0x6b: {  	_ =	shalt  }
0x6c: {  	_ =	shalt  }
0x6d: {  	_ =	shalt  }
0x6e: {  	_ =	shalt  }
0x6f: {  	_ =	shalt  }
0x70: {  	_ =	shalt  }
0x71: {  	_ =	shalt  }
0x72: {  	_ =	shalt  }
0x73: {  	_ =	shalt  }
0x74: {  	_ =	shalt  }
0x75: {  	_ =	shalt  }
0x76: {  	_ =	shalt  }
0x77: {  	_ =	shalt  }
0x78: {  	_ =	shalt  }
0x79: {  	_ =	shalt  }
0x7a: {  	_ =	shalt  }
0x7b: {  	_ =	shalt  }
0x7c: {  	_ =	shalt  }
0x7d: {  	_ =	shalt  }
0x7e: {  	_ =	shalt  }
0x7f: {  	_ =	shalt  }
0x80: {  	_ =	shalt  }
0x81: {  	_ =	shalt  }
0x82: {  	_ =	shalt  }
0x83: {  	_ =	shalt  }
0x84: {  	_ =	shalt  }
0x85: {  	_ =	shalt  }
0x86: {  	_ =	shalt  }
0x87: {  	_ =	shalt  }
.Lfunc_end0:
.L_simem_size_0:
called_computation_lowered:
.L_overlay_start_0:
0x88: {  	s2 =	sld [smem:$0x3FD9]  }
0x89: {  	s3 =	sld [smem:$0x3FFE];
	_ =	sdelay $0x1  }
0x8a: {  	s1 =	srdreg.scid  }
0x8b: {  	s0 =	sand.u32 $0x1, s1  }
0x8c: {  	s17 =	sshll.u32 s0, $0xA;
	s2 =	sadd.s32 s3, s2  }
0x8d: {  	s2 =	sadd.s32 s2, s17  }
0x8e: {  	[smem:$0x3FC0] =	sst s2  }
0x8f: {  	_ = 	snop  }
0x90: {  	s2 =	sld [smem:$0x3FD0];
	(tm) =	ssettm $0x1  }
0x91: {  	s18 =	sld [smem:$0x3FFB];
	_ =	sdelay $0x3  }
0x92: {  	_ =	strace s18  }
0x93: {  	s3 =	sld [smem:$0x3FFC];
	_ =	sdelay $0x3  }
0x94: {  	_ =	strace s3  }
0x95: {  	s3 =	sld [smem:$0x3FFD];
	_ =	sdelay $0x3  }
0x96: {  	_ =	strace s3  }
0x97: {  	_ =	strace $0x8FFFFFFF  }
0x98: {  	s19 =	sld [smem:$0x3FDB];
	_ =	sdelay $0x1  }
0x99: {  	s4 =	simm.s32 $_scs_section_size  }
0x9a: {  	s5 =	simm.s32 $_size__tile_overlayer_lowered;
	s6 =	simm.s32 $_tile_overlayer_lowered  }
0x9b: {  	s22 =	simm.s32 $0x1BFF;
	s21 =	sshll.u32 s6, $0x1;
	s3 =	sadd.s32 s4, s19  }
0x9c: {  	s7 =	simm.s32 $0x0;
	s20 =	sshll.u32 s5, $0x1;
	s5 =	sadd.s32 s21, s3  }
0x9d: {  	[timem:s7], [sflag:s22] =	dma.local [hbm:s5], s20  }
0x9e: {  	_ =	swait.ge [sflag:s22], s20  }
0x9f: {  	s4 =	ssub.s32 $0x0, s20;
	[sflag:s22] =	ssyncset.done $0x0  }
0xa0: {  	[sflag:s22] =	ssyncadd.s32 s4;
	_ =	sdelay $0x1  }
0xa1: {  	s23 =	simm.s32 $0x1B8B  }
0xa2: {  	_ =	swait.ge [sflag:s23], $0x1  }
0xa3: {  	[sflag:s23] =	ssyncset.done $0x0  }
0xa4: {  	s25 =	simm.s32 $0x1B8E;
	s24 =	sld [smem:$0x3FFE];
	[sflag:s23] =	ssyncadd.s32 $0xFFFFFFFF  }
0xa5: {  	s26 =	simm.s32 $execute0_lowered;
	[smem:$0x3FD2] =	sst s25  }
0xa6: {  	s5 =	sshll.u32 s26, $0x1;
	_ =	strace $0x80000046;
	[dreg:$0x1] =	wrdreg $0xFFFFFFFF  }
0xa7: {  	s28 =	simm.s32 $_size_execute0_lowered;
	s3 =	sadd.s32 s3, s5;
	[dreg:$0x0] =	wrdreg $0x0  }
0xa8: {  	s5 =	sshll.u32 s28, $0x1;
	[dreg:$0x2] =	wrdreg s3  }
0xa9: {  	[dreg:$0x3] =	wrdreg s5  }
0xaa: {  	[dreg:$0x4] =	wrdreg $0xC0  }
0xab: {  	_ =	task [dreg:s7], $0x5FFFF  }
0xac: {  	[dreg:$0x1] =	wrdreg $0xFFFFFFFF  }
0xad: {  	[dreg:$0x0] =	wrdreg $0x60  }
0xae: {  	[dreg:$0x2] =	wrdreg s24  }
0xaf: {  	[dreg:$0x3] =	wrdreg s2  }
0xb0: {  	[dreg:$0x4] =	wrdreg $0x0  }
0xb1: {  	[dreg:$0x5] =	wrdreg $0x9  }
0xb2: {  	_ =	task.clear_ibuf [dreg:s7], $0x6FFFF;
	_ =	strace $0x90000046  }
0xb3: {  	s29 =	simm.s32 $0x9;
	_ =	strace $0x80000048  }
0xb4: {  	_ =	swait.ge [sflag:s29], $0x1  }
0xb5: {  	[sflag:s29] =	ssyncadd.s32 $0xFFFFFFFF  }
0xb6: {  	_ =	strace $0x90000048  }
0xb7: {  	_ =	sfence  }
0xb8: {  	s30 =	sld [smem:$0x0];
	_ =	sdelay $0x2  }
0xb9: {  	s31 =	sshll.u32 s1, $0xD;
	s1 =	sshrl.u32 s1, $0x2  }
0xba: {  	s3 =	sand.u32 $0x4000, s31;
	s1 =	sadd.s32 s1, s30  }
0xbb: {  	s0 =	sor.u32 s3, s0;
	s1 =	sshll.u32 s1, $0x11  }
0xbc: {  	s0 =	sor.u32 s1, s0  }
0xbd: {  	s0 =	sadd.s32 $0x8F2B, s0  }
0xbe: {  	[sflag:s0] =	ssyncadd.remote.s32 $0x1  }
0xbf: {  	_ =	sfence.sel $0xFFFF  }
0xc0: {  	[dreg:$0x0] =	wrdreg $0xFFFFFFFF;
	(pc) =	sbr.abs _section_cstart, $3  }
0xc1: {  	[dreg:$0x1] =	wrdreg $0xFFFFFFFF  }
0xc2: {  	_ =	task.clear_ibuf [dreg:s7], $0x2FFFF;
	_ =	strace $0x9FFFFFFF  }
0xc3: {  	(tm) =	ssettm $0x7FFFFFFF  }
tec
execute0_lowered:
.L_overlay_start_1:
0x0: {  	(tag) =	ssettag $0x1  }
0x1: {  	s6 =	rddreg [dreg:$0x0]  }
0x2: {  	s0 =	srdreg.scid;
	s2 =	rddreg [dreg:$0x1]  }
0x3: {  	s3 =	rddreg [dreg:$0x2];
	s1 =	stileid.u32  }
0x4: {  	s4 =	simm.s32 $0x0;
	s5 =	sand.u32 $0x1, s0;
	s0 =	rddreg [dreg:$0x3]  }
0x5: {  	s13 =	simm.s32 $0x80;
	[smem:$0x7FF] =	sst s4;
	s10 =	smul.u32 $0x1400, s1  }
0x6: {  	s11 =	sshll.u32 s1, $0x6;
	s7 =	sshll.u32 s5, $0x4;
	_ =	strace $0x80000047  }
0x7: {  	s8 =	smul.u32 $0x2800, s5;
	s9 =	ssub.s32 $0x2, s5;
	s5 =	sadd.s32 $0x16000, s6  }
0x8: {  	s11 =	sor.u32 $0x1C01, s11;
	s7 =	sor.u32 s1, s7;
	s31 =	sshrl.u32 s9, $0x1  }
0x9: {  	s12 =	sadd.s32 s10, s3;
	s15 =	sshrl.u32 s10, $0x3;
	s10 =	simm.s32 $0x3C00  }
0xa: {  	s7 =	smul.u32 $0x500, s7;
	s8 =	sadd.s32 s8, s6;
	s9 =	ssub.s32 s9, s31  }
0xb: {  	s12 =	sshrl.u32 s12, $0x3;
	s14 =	sadd.s32 $0x16200, s8;
	s8 =	simm.s32 $0x1400  }
0xc: {  	s7 =	sadd.s32 s7, s6;
	s14 =	sadd.s32 s15, s14;
	s15 =	simm.s32 $0x0  }
0xd: {  	s6 =	sadd.s32 $0xC000, s7;
	s7 =	smax.u32 s9, $0x1;
	s9 =	simm.s32 $0x1  }
.LBB2_1:
0xe: {  	[tilespmem:s8], [sflag:$0x1] =	stream.linear.gather [hbm4b:s6+s4], $0x2800, $0x38;
	[tilespmem:$0x4000] =	vst v63  }
0xf: {  	_ =	swait.ge [sflag:s9], $0x2800  }
0x10: {  	[sflag:s9] =	ssyncset.done $0x0  }
0x11: {  	[sflag:s9] =	ssyncadd.s32 $0xFFFFD800  }
0x12: {  	[tilespmem:s10], [sflag:$0x1] =	stream.linear.gather [hbm4b:s5+s4], $0x400, $0x38;
	[tilespmem:$0x4000] =	vst v63  }
0x13: {  	_ =	swait.ge [sflag:s9], $0x400  }
0x14: {  	[sflag:s9] =	ssyncset.done $0x0  }
0x15: {  	[sflag:s9] =	ssyncadd.s32 $0xFFFFFC00  }
0x16: {  	[spmem:s12], [sflag:s11] =	dma.local [hbm:s2], $0x280  }
0x17: {  	_ =	swait.ge [sflag:s9], $0x280  }
0x18: {  	[sflag:s9] =	ssyncset.done $0x0  }
0x19: {  	[sflag:s9] =	ssyncadd.s32 $0xFFFFFD80  }
0x1a: {  	s16 =	simm.s32 $0x1400;
	[bflag:$0x0] =	sbarrier.arrive $0xFFFF  }
0x1b: {  	[spmem:s3] =	stream.indirect.scatter.add.f32 [tilespmem:s10], [sflag:$0x1], $0x8, s16, s13, $0xb8;
	[tilespmem:$0x4000] =	vst v63  }
0x1c: {  	s16 =	simm.s32 $0x200;
	_ =	swait.ge [sflag:s9], $0x400  }
.LBB2_2:
0x1d: {  	s17 =	sshra.s32 s16, $0x2;
	[sflag:s9] =	ssyncset.done $0x0;
	p0 =	sne.s32 s16, $0x9E00  }
.Ltmp0:
0x1e: {  	s17 =	sadd.s32 $0x1400, s17;
	[sflag:s9] =	ssyncadd.s32 $0xFFFFFC00;
	(pc) =	sbr.rel @p0 .LBB2_2-.Ltmp0, $3  }
0x1f: {  	[spmem:s3] =	stream.indirect.scatter.add.f32 [tilespmem:s10], [sflag:$0x1], $0x8, s17, s13, $0xb8;
	[tilespmem:$0x4000] =	vst v63  }
0x20: {  	s16 =	sadd.s32 $0x200, s16;
	_ =	sdelay $0x1  }
0x21: {  	_ =	swait.ge [sflag:s9], $0x400  }
0x22: {  	[sflag:s9] =	ssyncset.done $0x0;
	s15 =	sadd.s32 $0x1, s15  }
0x23: {  	[sflag:s9] =	ssyncadd.s32 $0xFFFFFC00;
	p0 =	sne.s32 s15, s7  }
.Ltmp1:
0x24: {  	[bflag:$0x0] =	sbarrier.arrive $0xFFFF;
	(pc) =	sbr.rel @p0 .LBB2_1-.Ltmp1, $4  }
0x25: {  	[hbm:s14], [sflag:s11] =	dma.local [spmem:s12], $0x280  }
0x26: {  	_ =	swait.ge [sflag:s9], $0x280  }
0x27: {  	[sflag:s9] =	ssyncset.done $0x0  }
0x28: {  	[sflag:s9] =	ssyncadd.s32 $0xFFFFFD80  }
0x29: {  	_ =	sfence.sel $0x180000  }
0x2a: {  	[bflag:$0x0] =	sbarrier.arrive $0xFFFF  }
0x2b: {  	p0 =	sne.s32 s1, $0x0;
	_ =	strace $0x90000047  }
0x2c: {  	s0 =	sadd.s32 @!p0 $0x100000, s0;
	[bflag:$0x2] =	sbarrier.arrive $0xFFFF  }
0x2d: {  	[sflag:s0] =	ssyncadd.tile.s32 @!p0 $0x1;
	_ =	shalt  }
.Lfunc_end2:
_tile_overlayer_lowered:
.L_overlay_start_2:
0x2e: {  	(tag) =	ssettag $0x2  }
0x2f: {  	s0 =	rddreg [dreg:$0x0];
	s2 =	stileid.u32  }
0x30: {  	s1 =	rddreg [dreg:$0x1];
	p0 =	sne.s32 s2, $0x0  }
0x31: {  	s3 =	rddreg [dreg:$0x2];
	[bflag:$0x3] =	sbarrier.arrive $0xFFFF;
	s2 =	simm.s32 @!p0 $0x1C01  }
0x32: {  	[timem:s3], [sflag:s2] =	dma.local @!p0 [hbm:s0], s1  }
0x33: {  	s0 =	simm.s32 @!p0 $0x1  }
0x34: {  	_ =	swait.ge @!p0 [sflag:s0], s1  }
0x35: {  	s1 =	ssub.s32 @!p0 $0x0, s1;
	[sflag:s0] =	ssyncset.done @!p0 $0x0  }
0x36: {  	[sflag:s0] =	ssyncadd.s32 @!p0 s1  }
0x37: {  	[bflag:$0x3] =	sbarrier.arrive $0xFFFF  }
0x38: {  	_ =	shalt  }

</sc_bundles>
